<compile_context>
chip_gen: v7x
topology: tpu7x:2x2x1
jax: 0.10.2.dev20260603
libtpu: 0.0.44.dev20260713+nightly
codegen_flags: <defaults>
</compile_context>

<pallas_src>
import functools
import math

import jax
import jax.numpy as jnp
from jax import lax
from jax.experimental import pallas as pl
from jax.experimental.pallas import tpu as pltpu
from jax.experimental.pallas import tpu_sc as plsc

D_MODEL = 128
SCALE = math.sqrt(D_MODEL)
NUM_CORES = 2
NUM_SUBCORES = 16
LANES = 16


@functools.lru_cache(maxsize=None)
def _make_emb(n_rows: int, chunk: int):
    n_workers = NUM_CORES * NUM_SUBCORES
    per_w = n_rows // n_workers
    n_chunks = per_w // chunk
    n_pairs = n_chunks // 2
    assert per_w * n_workers == n_rows and n_pairs * 2 * chunk == per_w

    mesh = plsc.VectorSubcoreMesh(
        core_axis_name="c", subcore_axis_name="s",
        num_cores=NUM_CORES, num_subcores=NUM_SUBCORES)

    @functools.partial(
        pl.kernel,
        out_type=jax.ShapeDtypeStruct((n_rows, D_MODEL), jnp.float32),
        mesh=mesh,
        scratch_types=[
            pltpu.VMEM((chunk,), jnp.int32),
            pltpu.VMEM((chunk,), jnp.int32),
            pltpu.VMEM((chunk, D_MODEL), jnp.float32),
            pltpu.VMEM((chunk, D_MODEL), jnp.float32),
            pltpu.VMEM((chunk, D_MODEL), jnp.float32),
            pltpu.VMEM((chunk, D_MODEL), jnp.float32),
            pltpu.SemaphoreType.DMA,
            pltpu.SemaphoreType.DMA,
            pltpu.SemaphoreType.DMA,
            pltpu.SemaphoreType.DMA,
            pltpu.SemaphoreType.DMA,
            pltpu.SemaphoreType.DMA,
        ],
    )
    def emb(x_hbm, table_hbm, out_hbm, idx_a, idx_b, rbuf_a, rbuf_b,
            obuf_a, obuf_b, isem0, isem1, gsem0, gsem1, osem0, osem1):
        idx2 = (idx_a, idx_b)
        rbuf = (rbuf_a, rbuf_b)
        obuf = (obuf_a, obuf_b)
        isem = (isem0, isem1)
        gsem = (gsem0, gsem1)
        osem = (osem0, osem1)
        wid = lax.axis_index("s") * NUM_CORES + lax.axis_index("c")
        base = wid * per_w

        def idx_copy(g, b):
            return pltpu.make_async_copy(
                x_hbm.at[pl.ds(base + g * chunk, chunk)], idx2[b], isem[b])

        def gather(b):
            return pltpu.make_async_copy(
                table_hbm.at[idx2[b]], rbuf[b], gsem[b])

        def out_copy(g, b):
            return pltpu.make_async_copy(
                obuf[b], out_hbm.at[pl.ds(base + g * chunk, chunk)],
                osem[b])

        pltpu.sync_copy(x_hbm.at[pl.ds(base, chunk)], idx2[0])
        gather(0).start()
        idx_copy(1, 1).start()

        def pair(p, carry):
            for b in (0, 1):
                g = 2 * p + b
                nb = 1 - b
                not_last = p < n_pairs - 1

                def launch_next():
                    idx_copy(g + 1, nb).wait()
                    gather(nb).start()
                if b == 0:
                    launch_next()
                else:
                    pl.when(not_last)(launch_next)

                gather(b).wait()
                pl.when(not_last)(lambda: idx_copy(g + 2, b).start())

                pl.when(p >= 1)(lambda: out_copy(g - 2, b).wait())

                def row_body(r, c):
                    for j in range(D_MODEL // LANES):
                        sl = pl.ds(j * LANES, LANES)
                        obuf[b][r, sl] = rbuf[b][r, sl] * SCALE
                    return c

                lax.fori_loop(0, chunk, row_body, 0, unroll=2)
                out_copy(g, b).start()
            return carry

        lax.fori_loop(0, n_pairs, pair, 0)
        out_copy(n_chunks - 2, 0).wait()
        out_copy(n_chunks - 1, 1).wait()

    return emb


def kernel(x, table):
    b0, b1 = x.shape
    n_rows = b0 * b1
    emb = _make_emb(n_rows, 200)
    out = emb(x.reshape(n_rows).astype(jnp.int32), table)
    return out.reshape(b0, b1, D_MODEL)

# --- scband reference (transcript-rebuilt; emitter-appended) ---
"""Pipeline reference for scband-token-embedding-2817498546414 (READ-ONLY COPY).

The authoritative reference and input builder live on the scoring server;
editing this copy changes nothing except your own understanding.
"""

import jax, jax.numpy as jnp
import numpy as np
import math

VOCAB_SIZE = 1000000
D_MODEL = 128

def setup_inputs(seed: int = 0) -> dict:
    key = jax.random.key(seed)
    k1, k2 = jax.random.split(key)
    x = jax.random.randint(k1, (4096, 200), 0, VOCAB_SIZE, dtype=jnp.int64 if jax.config.read('jax_enable_x64') else jnp.int32)
    table = jax.random.normal(k2, (VOCAB_SIZE, D_MODEL), dtype=jnp.float32)
    return {"x": x, "table": table}

def reference(x, table):
    emb = jnp.take(table, x, axis=0)
    return emb * math.sqrt(D_MODEL)

if __name__ == "__main__":
    import jax
    _d = setup_inputs()
    print(jax.jit(kernel)(*tuple(_d.values())))

</pallas_src>

<mosaic_0001>
#map = affine_map<(d0, d1) -> (0)>
#map1 = affine_map<(d0, d1) -> (0, 0)>
module attributes {stable_mosaic.version = 14 : i64} {
  func.func @emb(%arg0: i32, %arg1: i32, %arg2: memref<819200xi32, #tpu.memory_space<hbm>>, %arg3: memref<1000000x128xf32, #tpu.memory_space<hbm>>, %arg4: memref<819200x128xf32, #tpu.memory_space<hbm>>, %arg5: memref<200xi32, #tpu.memory_space<vmem>>, %arg6: memref<200xi32, #tpu.memory_space<vmem>>, %arg7: memref<200x128xf32, #tpu.memory_space<vmem>>, %arg8: memref<200x128xf32, #tpu.memory_space<vmem>>, %arg9: memref<200x128xf32, #tpu.memory_space<vmem>>, %arg10: memref<200x128xf32, #tpu.memory_space<vmem>>, %arg11: memref<!tpu.dma_semaphore, #tpu.memory_space<semaphore_mem>>, %arg12: memref<!tpu.dma_semaphore, #tpu.memory_space<semaphore_mem>>, %arg13: memref<!tpu.dma_semaphore, #tpu.memory_space<semaphore_mem>>, %arg14: memref<!tpu.dma_semaphore, #tpu.memory_space<semaphore_mem>>, %arg15: memref<!tpu.dma_semaphore, #tpu.memory_space<semaphore_mem>>, %arg16: memref<!tpu.dma_semaphore, #tpu.memory_space<semaphore_mem>>) attributes {dimension_semantics = [#tpu.dimension_semantics<core_parallel>, #tpu.dimension_semantics<subcore_parallel>], iteration_bounds = array<i64: 2, 16>, scalar_prefetch = 0 : i64, scratch_operands = 12 : i64, tpu.core_type = #tpu.core_type<sc_vector_subcore>, window_params = [{transform_indices = #map}, {transform_indices = #map1}, {transform_indices = #map1}]} {
    %mul3A = arith.constant 2 : i32
    %mul3A_0 = arith.muli %arg1, %mul3A : i32
    %add3A = arith.addi %mul3A_0, %arg0 : i32
    %mul3A_1 = arith.constant 25600 : i32
    %mul3A_2 = arith.muli %add3A, %mul3A_1 : i32
    "tpu.region"() ({
      %run_scoped3A = tpu.sem_alloc : memref<!tpu.dma_semaphore, #tpu.memory_space<semaphore_mem>>
      %dma_start3A_25 = tpu.memref_slice %arg2[%mul3A_2] : memref<819200xi32, #tpu.memory_space<hbm>> -> memref<200xi32, #tpu.memory_space<hbm>>
      %dma_start3A_26 = tpu.memref_slice %arg2[%mul3A_2] : memref<819200xi32, #tpu.memory_space<hbm>> -> memref<200xi32, #tpu.memory_space<hbm>>
      tpu.enqueue_dma source(%dma_start3A_26 : memref<200xi32, #tpu.memory_space<hbm>>) target(%arg5 : memref<200xi32, #tpu.memory_space<vmem>>) target_semaphore(%run_scoped3A : memref<!tpu.dma_semaphore, #tpu.memory_space<semaphore_mem>>)
      %dma_wait3A_27 = tpu.memref_slice %arg2[%mul3A_2] : memref<819200xi32, #tpu.memory_space<hbm>> -> memref<200xi32, #tpu.memory_space<hbm>>
      %dma_wait3A_28 = tpu.memref_slice %arg2[%mul3A_2] : memref<819200xi32, #tpu.memory_space<hbm>> -> memref<200xi32, #tpu.memory_space<hbm>>
      tpu.wait_dma2 semaphore(%run_scoped3A : memref<!tpu.dma_semaphore, #tpu.memory_space<semaphore_mem>>) src(%dma_wait3A_28 : memref<200xi32, #tpu.memory_space<hbm>>) dst(%arg5 : memref<200xi32, #tpu.memory_space<vmem>>)
      tpu.yield
    }) : () -> ()
    %dma_start3A = arith.constant 0 : i32
    %dma_start3A_3 = arith.constant 0 : i32
    %dma_start3A_4 = tpu.memref_slice %arg3[%dma_start3A, %dma_start3A_3] : memref<1000000x128xf32, #tpu.memory_space<hbm>> -> memref<1000000x128xf32, #tpu.memory_space<hbm>>
    tpu.enqueue_indirect_dma source(%dma_start3A_4 : memref<1000000x128xf32, #tpu.memory_space<hbm>>) target(%arg7 : memref<200x128xf32, #tpu.memory_space<vmem>>) offsets(%arg5 : memref<200xi32, #tpu.memory_space<vmem>>) semaphore(%arg13 : memref<!tpu.dma_semaphore, #tpu.memory_space<semaphore_mem>>)
    %add3A_5 = arith.constant 200 : i32
    %add3A_6 = arith.addi %mul3A_2, %add3A_5 : i32
    %dma_start3A_7 = tpu.memref_slice %arg2[%add3A_6] : memref<819200xi32, #tpu.memory_space<hbm>> -> memref<200xi32, #tpu.memory_space<hbm>>
    %dma_start3A_8 = tpu.memref_slice %arg2[%add3A_6] : memref<819200xi32, #tpu.memory_space<hbm>> -> memref<200xi32, #tpu.memory_space<hbm>>
    tpu.enqueue_dma source(%dma_start3A_8 : memref<200xi32, #tpu.memory_space<hbm>>) target(%arg6 : memref<200xi32, #tpu.memory_space<vmem>>) target_semaphore(%arg12 : memref<!tpu.dma_semaphore, #tpu.memory_space<semaphore_mem>>)
    %scan3A = arith.constant 0 : i32
    %scan3A_9 = arith.constant 0 : i32
    %scan3A_10 = arith.constant 64 : i32
    %scan3A_11 = arith.addi %scan3A_9, %scan3A_10 : i32
    %scan3A_12 = arith.constant 1 : i32
    scf.for %scan3A_25 = %scan3A_9 to %scan3A_11 step %scan3A_12  : i32 {
      %mul3A_26 = arith.constant 2 : i32
      %mul3A_27 = arith.muli %mul3A_26, %scan3A_25 : i32
      %add3A_28 = arith.constant 0 : i32
      %add3A_29 = arith.addi %mul3A_27, %add3A_28 : i32
      %lt3A = arith.constant 63 : i32
      %lt3A_30 = arith.cmpi slt, %scan3A_25, %lt3A : i32
      %add3A_31 = arith.constant 1 : i32
      %add3A_32 = arith.addi %add3A_29, %add3A_31 : i32
      %mul3A_33 = arith.constant 200 : i32
      %mul3A_34 = arith.muli %add3A_32, %mul3A_33 : i32
      %add3A_35 = arith.addi %mul3A_2, %mul3A_34 : i32
      %dma_wait3A_36 = tpu.memref_slice %arg2[%add3A_35] : memref<819200xi32, #tpu.memory_space<hbm>> -> memref<200xi32, #tpu.memory_space<hbm>>
      %dma_wait3A_37 = tpu.memref_slice %arg2[%add3A_35] : memref<819200xi32, #tpu.memory_space<hbm>> -> memref<200xi32, #tpu.memory_space<hbm>>
      tpu.wait_dma2 semaphore(%arg12 : memref<!tpu.dma_semaphore, #tpu.memory_space<semaphore_mem>>) src(%dma_wait3A_37 : memref<200xi32, #tpu.memory_space<hbm>>) dst(%arg6 : memref<200xi32, #tpu.memory_space<vmem>>)
      %dma_start3A_38 = arith.constant 0 : i32
      %dma_start3A_39 = arith.constant 0 : i32
      %dma_start3A_40 = tpu.memref_slice %arg3[%dma_start3A_38, %dma_start3A_39] : memref<1000000x128xf32, #tpu.memory_space<hbm>> -> memref<1000000x128xf32, #tpu.memory_space<hbm>>
      tpu.enqueue_indirect_dma source(%dma_start3A_40 : memref<1000000x128xf32, #tpu.memory_space<hbm>>) target(%arg8 : memref<200x128xf32, #tpu.memory_space<vmem>>) offsets(%arg6 : memref<200xi32, #tpu.memory_space<vmem>>) semaphore(%arg14 : memref<!tpu.dma_semaphore, #tpu.memory_space<semaphore_mem>>)
      %dma_wait3A_41 = arith.constant 0 : i32
      %dma_wait3A_42 = arith.constant 0 : i32
      %dma_wait3A_43 = tpu.memref_slice %arg3[%dma_wait3A_41, %dma_wait3A_42] : memref<1000000x128xf32, #tpu.memory_space<hbm>> -> memref<1000000x128xf32, #tpu.memory_space<hbm>>
      tpu.wait_indirect_dma semaphore(%arg13 : memref<!tpu.dma_semaphore, #tpu.memory_space<semaphore_mem>>) src(%dma_wait3A_43 : memref<1000000x128xf32, #tpu.memory_space<hbm>>) dst(%arg7 : memref<200x128xf32, #tpu.memory_space<vmem>>)
      %convert_element_type3A = arith.extui %lt3A_30 : i1 to i32
      %cond3A = arith.constant 0 : i32
      %cond3A_44 = arith.cmpi ne, %convert_element_type3A, %cond3A : i32
      scf.if %cond3A_44 {
        %add3A_95 = arith.constant 2 : i32
        %add3A_96 = arith.addi %add3A_29, %add3A_95 : i32
        %mul3A_97 = arith.constant 200 : i32
        %mul3A_98 = arith.muli %add3A_96, %mul3A_97 : i32
        %add3A_99 = arith.addi %mul3A_2, %mul3A_98 : i32
        %dma_start3A_100 = tpu.memref_slice %arg2[%add3A_99] : memref<819200xi32, #tpu.memory_space<hbm>> -> memref<200xi32, #tpu.memory_space<hbm>>
        %dma_start3A_101 = tpu.memref_slice %arg2[%add3A_99] : memref<819200xi32, #tpu.memory_space<hbm>> -> memref<200xi32, #tpu.memory_space<hbm>>
        tpu.enqueue_dma source(%dma_start3A_101 : memref<200xi32, #tpu.memory_space<hbm>>) target(%arg5 : memref<200xi32, #tpu.memory_space<vmem>>) target_semaphore(%arg11 : memref<!tpu.dma_semaphore, #tpu.memory_space<semaphore_mem>>)
      } else {
      }
      %ge3A = arith.constant 1 : i32
      %ge3A_45 = arith.cmpi sge, %scan3A_25, %ge3A : i32
      %convert_element_type3A_46 = arith.extui %ge3A_45 : i1 to i32
      %cond3A_47 = arith.constant 0 : i32
      %cond3A_48 = arith.cmpi ne, %convert_element_type3A_46, %cond3A_47 : i32
      scf.if %cond3A_48 {
        %sub3A = arith.constant 2 : i32
        %sub3A_95 = arith.subi %add3A_29, %sub3A : i32
        %mul3A_96 = arith.constant 200 : i32
        %mul3A_97 = arith.muli %sub3A_95, %mul3A_96 : i32
        %add3A_98 = arith.addi %mul3A_2, %mul3A_97 : i32
        %dma_wait3A_99 = arith.constant 0 : i32
        %dma_wait3A_100 = tpu.memref_slice %arg4[%add3A_98, %dma_wait3A_99] : memref<819200x128xf32, #tpu.memory_space<hbm>> -> memref<200x128xf32, #tpu.memory_space<hbm>>
        %dma_wait3A_101 = arith.constant 0 : i32
        %dma_wait3A_102 = tpu.memref_slice %arg4[%add3A_98, %dma_wait3A_101] : memref<819200x128xf32, #tpu.memory_space<hbm>> -> memref<200x128xf32, #tpu.memory_space<hbm>>
        tpu.wait_dma2 semaphore(%arg15 : memref<!tpu.dma_semaphore, #tpu.memory_space<semaphore_mem>>) src(%arg9 : memref<200x128xf32, #tpu.memory_space<vmem>>) dst(%dma_wait3A_102 : memref<200x128xf32, #tpu.memory_space<hbm>>)
      } else {
      }
      %scan3A_49 = arith.constant 0 : i32
      %scan3A_50 = arith.constant 0 : i32
      %scan3A_51 = arith.constant 200 : i32
      %scan3A_52 = arith.addi %scan3A_50, %scan3A_51 : i32
      %scan3A_53 = arith.constant 2 : i32
      scf.for %scan3A_95 = %scan3A_50 to %scan3A_52 step %scan3A_53  : i32 {
        %get3A = arith.index_cast %scan3A_95 : i32 to index
        %get3A_96 = arith.constant 0 : index
        %get3A_97 = tpu.vector_load %arg7[%get3A, %get3A_96] {strides = array<i32>} : memref<200x128xf32, #tpu.memory_space<vmem>>, vector<1x16xf32>,
        %get3A_98 = vector.shape_cast %get3A_97 : vector<1x16xf32> to vector<16xf32>
        %mul3A_99 = arith.constant 11.3137083 : f32
        %mul3A_100 = vector.broadcast %mul3A_99 : f32 to vector<16xf32>
        %mul3A_101 = arith.mulf %get3A_98, %mul3A_100 : vector<16xf32>
        %swap3A = arith.index_cast %scan3A_95 : i32 to index
        %swap3A_102 = arith.constant 0 : index
        %swap3A_103 = tpu.vector_load %arg9[%swap3A, %swap3A_102] {strides = array<i32>} : memref<200x128xf32, #tpu.memory_space<vmem>>, vector<1x16xf32>,
        %swap3A_104 = vector.shape_cast %swap3A_103 : vector<1x16xf32> to vector<16xf32>
        %swap3A_105 = vector.shape_cast %mul3A_101 : vector<16xf32> to vector<1x16xf32>
        tpu.vector_store %arg9[%swap3A, %swap3A_102], %swap3A_105 {strides = array<i32>} : memref<200x128xf32, #tpu.memory_space<vmem>>, vector<1x16xf32>,
        %get3A_106 = arith.index_cast %scan3A_95 : i32 to index
        %get3A_107 = arith.constant 16 : index
        %get3A_108 = tpu.vector_load %arg7[%get3A_106, %get3A_107] {strides = array<i32>} : memref<200x128xf32, #tpu.memory_space<vmem>>, vector<1x16xf32>,
        %get3A_109 = vector.shape_cast %get3A_108 : vector<1x16xf32> to vector<16xf32>
        %mul3A_110 = arith.constant 11.3137083 : f32
        %mul3A_111 = vector.broadcast %mul3A_110 : f32 to vector<16xf32>
        %mul3A_112 = arith.mulf %get3A_109, %mul3A_111 : vector<16xf32>
        %swap3A_113 = arith.index_cast %scan3A_95 : i32 to index
        %swap3A_114 = arith.constant 16 : index
        %swap3A_115 = tpu.vector_load %arg9[%swap3A_113, %swap3A_114] {strides = array<i32>} : memref<200x128xf32, #tpu.memory_space<vmem>>, vector<1x16xf32>,
        %swap3A_116 = vector.shape_cast %swap3A_115 : vector<1x16xf32> to vector<16xf32>
        %swap3A_117 = vector.shape_cast %mul3A_112 : vector<16xf32> to vector<1x16xf32>
        tpu.vector_store %arg9[%swap3A_113, %swap3A_114], %swap3A_117 {strides = array<i32>} : memref<200x128xf32, #tpu.memory_space<vmem>>, vector<1x16xf32>,
        %get3A_118 = arith.index_cast %scan3A_95 : i32 to index
        %get3A_119 = arith.constant 32 : index
        %get3A_120 = tpu.vector_load %arg7[%get3A_118, %get3A_119] {strides = array<i32>} : memref<200x128xf32, #tpu.memory_space<vmem>>, vector<1x16xf32>,
        %get3A_121 = vector.shape_cast %get3A_120 : vector<1x16xf32> to vector<16xf32>
        %mul3A_122 = arith.constant 11.3137083 : f32
        %mul3A_123 = vector.broadcast %mul3A_122 : f32 to vector<16xf32>
        %mul3A_124 = arith.mulf %get3A_121, %mul3A_123 : vector<16xf32>
        %swap3A_125 = arith.index_cast %scan3A_95 : i32 to index
        %swap3A_126 = arith.constant 32 : index
        %swap3A_127 = tpu.vector_load %arg9[%swap3A_125, %swap3A_126] {strides = array<i32>} : memref<200x128xf32, #tpu.memory_space<vmem>>, vector<1x16xf32>,
        %swap3A_128 = vector.shape_cast %swap3A_127 : vector<1x16xf32> to vector<16xf32>
        %swap3A_129 = vector.shape_cast %mul3A_124 : vector<16xf32> to vector<1x16xf32>
        tpu.vector_store %arg9[%swap3A_125, %swap3A_126], %swap3A_129 {strides = array<i32>} : memref<200x128xf32, #tpu.memory_space<vmem>>, vector<1x16xf32>,
        %get3A_130 = arith.index_cast %scan3A_95 : i32 to index
        %get3A_131 = arith.constant 48 : index
        %get3A_132 = tpu.vector_load %arg7[%get3A_130, %get3A_131] {strides = array<i32>} : memref<200x128xf32, #tpu.memory_space<vmem>>, vector<1x16xf32>,
        %get3A_133 = vector.shape_cast %get3A_132 : vector<1x16xf32> to vector<16xf32>
        %mul3A_134 = arith.constant 11.3137083 : f32
        %mul3A_135 = vector.broadcast %mul3A_134 : f32 to vector<16xf32>
        %mul3A_136 = arith.mulf %get3A_133, %mul3A_135 : vector<16xf32>
        %swap3A_137 = arith.index_cast %scan3A_95 : i32 to index
        %swap3A_138 = arith.constant 48 : index
        %swap3A_139 = tpu.vector_load %arg9[%swap3A_137, %swap3A_138] {strides = array<i32>} : memref<200x128xf32, #tpu.memory_space<vmem>>, vector<1x16xf32>,
        %swap3A_140 = vector.shape_cast %swap3A_139 : vector<1x16xf32> to vector<16xf32>
        %swap3A_141 = vector.shape_cast %mul3A_136 : vector<16xf32> to vector<1x16xf32>
        tpu.vector_store %arg9[%swap3A_137, %swap3A_138], %swap3A_141 {strides = array<i32>} : memref<200x128xf32, #tpu.memory_space<vmem>>, vector<1x16xf32>,
        %get3A_142 = arith.index_cast %scan3A_95 : i32 to index
        %get3A_143 = arith.constant 64 : index
        %get3A_144 = tpu.vector_load %arg7[%get3A_142, %get3A_143] {strides = array<i32>} : memref<200x128xf32, #tpu.memory_space<vmem>>, vector<1x16xf32>,
        %get3A_145 = vector.shape_cast %get3A_144 : vector<1x16xf32> to vector<16xf32>
        %mul3A_146 = arith.constant 11.3137083 : f32
        %mul3A_147 = vector.broadcast %mul3A_146 : f32 to vector<16xf32>
        %mul3A_148 = arith.mulf %get3A_145, %mul3A_147 : vector<16xf32>
        %swap3A_149 = arith.index_cast %scan3A_95 : i32 to index
        %swap3A_150 = arith.constant 64 : index
        %swap3A_151 = tpu.vector_load %arg9[%swap3A_149, %swap3A_150] {strides = array<i32>} : memref<200x128xf32, #tpu.memory_space<vmem>>, vector<1x16xf32>,
        %swap3A_152 = vector.shape_cast %swap3A_151 : vector<1x16xf32> to vector<16xf32>
        %swap3A_153 = vector.shape_cast %mul3A_148 : vector<16xf32> to vector<1x16xf32>
        tpu.vector_store %arg9[%swap3A_149, %swap3A_150], %swap3A_153 {strides = array<i32>} : memref<200x128xf32, #tpu.memory_space<vmem>>, vector<1x16xf32>,
        %get3A_154 = arith.index_cast %scan3A_95 : i32 to index
        %get3A_155 = arith.constant 80 : index
        %get3A_156 = tpu.vector_load %arg7[%get3A_154, %get3A_155] {strides = array<i32>} : memref<200x128xf32, #tpu.memory_space<vmem>>, vector<1x16xf32>,
        %get3A_157 = vector.shape_cast %get3A_156 : vector<1x16xf32> to vector<16xf32>
        %mul3A_158 = arith.constant 11.3137083 : f32
        %mul3A_159 = vector.broadcast %mul3A_158 : f32 to vector<16xf32>
        %mul3A_160 = arith.mulf %get3A_157, %mul3A_159 : vector<16xf32>
        %swap3A_161 = arith.index_cast %scan3A_95 : i32 to index
        %swap3A_162 = arith.constant 80 : index
        %swap3A_163 = tpu.vector_load %arg9[%swap3A_161, %swap3A_162] {strides = array<i32>} : memref<200x128xf32, #tpu.memory_space<vmem>>, vector<1x16xf32>,
        %swap3A_164 = vector.shape_cast %swap3A_163 : vector<1x16xf32> to vector<16xf32>
        %swap3A_165 = vector.shape_cast %mul3A_160 : vector<16xf32> to vector<1x16xf32>
        tpu.vector_store %arg9[%swap3A_161, %swap3A_162], %swap3A_165 {strides = array<i32>} : memref<200x128xf32, #tpu.memory_space<vmem>>, vector<1x16xf32>,
        %get3A_166 = arith.index_cast %scan3A_95 : i32 to index
        %get3A_167 = arith.constant 96 : index
        %get3A_168 = tpu.vector_load %arg7[%get3A_166, %get3A_167] {strides = array<i32>} : memref<200x128xf32, #tpu.memory_space<vmem>>, vector<1x16xf32>,
        %get3A_169 = vector.shape_cast %get3A_168 : vector<1x16xf32> to vector<16xf32>
        %mul3A_170 = arith.constant 11.3137083 : f32
        %mul3A_171 = vector.broadcast %mul3A_170 : f32 to vector<16xf32>
        %mul3A_172 = arith.mulf %get3A_169, %mul3A_171 : vector<16xf32>
        %swap3A_173 = arith.index_cast %scan3A_95 : i32 to index
        %swap3A_174 = arith.constant 96 : index
        %swap3A_175 = tpu.vector_load %arg9[%swap3A_173, %swap3A_174] {strides = array<i32>} : memref<200x128xf32, #tpu.memory_space<vmem>>, vector<1x16xf32>,
        %swap3A_176 = vector.shape_cast %swap3A_175 : vector<1x16xf32> to vector<16xf32>
        %swap3A_177 = vector.shape_cast %mul3A_172 : vector<16xf32> to vector<1x16xf32>
        tpu.vector_store %arg9[%swap3A_173, %swap3A_174], %swap3A_177 {strides = array<i32>} : memref<200x128xf32, #tpu.memory_space<vmem>>, vector<1x16xf32>,
        %get3A_178 = arith.index_cast %scan3A_95 : i32 to index
        %get3A_179 = arith.constant 112 : index
        %get3A_180 = tpu.vector_load %arg7[%get3A_178, %get3A_179] {strides = array<i32>} : memref<200x128xf32, #tpu.memory_space<vmem>>, vector<1x16xf32>,
        %get3A_181 = vector.shape_cast %get3A_180 : vector<1x16xf32> to vector<16xf32>
        %mul3A_182 = arith.constant 11.3137083 : f32
        %mul3A_183 = vector.broadcast %mul3A_182 : f32 to vector<16xf32>
        %mul3A_184 = arith.mulf %get3A_181, %mul3A_183 : vector<16xf32>
        %swap3A_185 = arith.index_cast %scan3A_95 : i32 to index
        %swap3A_186 = arith.constant 112 : index
        %swap3A_187 = tpu.vector_load %arg9[%swap3A_185, %swap3A_186] {strides = array<i32>} : memref<200x128xf32, #tpu.memory_space<vmem>>, vector<1x16xf32>,
        %swap3A_188 = vector.shape_cast %swap3A_187 : vector<1x16xf32> to vector<16xf32>
        %swap3A_189 = vector.shape_cast %mul3A_184 : vector<16xf32> to vector<1x16xf32>
        tpu.vector_store %arg9[%swap3A_185, %swap3A_186], %swap3A_189 {strides = array<i32>} : memref<200x128xf32, #tpu.memory_space<vmem>>, vector<1x16xf32>,
        %scan3A_190 = arith.constant 1 : i32
        %scan3A_191 = arith.addi %scan3A_95, %scan3A_190 : i32
        %get3A_192 = arith.index_cast %scan3A_191 : i32 to index
        %get3A_193 = arith.constant 0 : index
        %get3A_194 = tpu.vector_load %arg7[%get3A_192, %get3A_193] {strides = array<i32>} : memref<200x128xf32, #tpu.memory_space<vmem>>, vector<1x16xf32>,
        %get3A_195 = vector.shape_cast %get3A_194 : vector<1x16xf32> to vector<16xf32>
        %mul3A_196 = arith.constant 11.3137083 : f32
        %mul3A_197 = vector.broadcast %mul3A_196 : f32 to vector<16xf32>
        %mul3A_198 = arith.mulf %get3A_195, %mul3A_197 : vector<16xf32>
        %swap3A_199 = arith.index_cast %scan3A_191 : i32 to index
        %swap3A_200 = arith.constant 0 : index
        %swap3A_201 = tpu.vector_load %arg9[%swap3A_199, %swap3A_200] {strides = array<i32>} : memref<200x128xf32, #tpu.memory_space<vmem>>, vector<1x16xf32>,
        %swap3A_202 = vector.shape_cast %swap3A_201 : vector<1x16xf32> to vector<16xf32>
        %swap3A_203 = vector.shape_cast %mul3A_198 : vector<16xf32> to vector<1x16xf32>
        tpu.vector_store %arg9[%swap3A_199, %swap3A_200], %swap3A_203 {strides = array<i32>} : memref<200x128xf32, #tpu.memory_space<vmem>>, vector<1x16xf32>,
        %get3A_204 = arith.index_cast %scan3A_191 : i32 to index
        %get3A_205 = arith.constant 16 : index
        %get3A_206 = tpu.vector_load %arg7[%get3A_204, %get3A_205] {strides = array<i32>} : memref<200x128xf32, #tpu.memory_space<vmem>>, vector<1x16xf32>,
        %get3A_207 = vector.shape_cast %get3A_206 : vector<1x16xf32> to vector<16xf32>
        %mul3A_208 = arith.constant 11.3137083 : f32
        %mul3A_209 = vector.broadcast %mul3A_208 : f32 to vector<16xf32>
        %mul3A_210 = arith.mulf %get3A_207, %mul3A_209 : vector<16xf32>
        %swap3A_211 = arith.index_cast %scan3A_191 : i32 to index
        %swap3A_212 = arith.constant 16 : index
        %swap3A_213 = tpu.vector_load %arg9[%swap3A_211, %swap3A_212] {strides = array<i32>} : memref<200x128xf32, #tpu.memory_space<vmem>>, vector<1x16xf32>,
        %swap3A_214 = vector.shape_cast %swap3A_213 : vector<1x16xf32> to vector<16xf32>
        %swap3A_215 = vector.shape_cast %mul3A_210 : vector<16xf32> to vector<1x16xf32>
        tpu.vector_store %arg9[%swap3A_211, %swap3A_212], %swap3A_215 {strides = array<i32>} : memref<200x128xf32, #tpu.memory_space<vmem>>, vector<1x16xf32>,
        %get3A_216 = arith.index_cast %scan3A_191 : i32 to index
        %get3A_217 = arith.constant 32 : index
        %get3A_218 = tpu.vector_load %arg7[%get3A_216, %get3A_217] {strides = array<i32>} : memref<200x128xf32, #tpu.memory_space<vmem>>, vector<1x16xf32>,
        %get3A_219 = vector.shape_cast %get3A_218 : vector<1x16xf32> to vector<16xf32>
        %mul3A_220 = arith.constant 11.3137083 : f32
        %mul3A_221 = vector.broadcast %mul3A_220 : f32 to vector<16xf32>
        %mul3A_222 = arith.mulf %get3A_219, %mul3A_221 : vector<16xf32>
        %swap3A_223 = arith.index_cast %scan3A_191 : i32 to index
        %swap3A_224 = arith.constant 32 : index
        %swap3A_225 = tpu.vector_load %arg9[%swap3A_223, %swap3A_224] {strides = array<i32>} : memref<200x128xf32, #tpu.memory_space<vmem>>, vector<1x16xf32>,
        %swap3A_226 = vector.shape_cast %swap3A_225 : vector<1x16xf32> to vector<16xf32>
        %swap3A_227 = vector.shape_cast %mul3A_222 : vector<16xf32> to vector<1x16xf32>
        tpu.vector_store %arg9[%swap3A_223, %swap3A_224], %swap3A_227 {strides = array<i32>} : memref<200x128xf32, #tpu.memory_space<vmem>>, vector<1x16xf32>,
        %get3A_228 = arith.index_cast %scan3A_191 : i32 to index
        %get3A_229 = arith.constant 48 : index
        %get3A_230 = tpu.vector_load %arg7[%get3A_228, %get3A_229] {strides = array<i32>} : memref<200x128xf32, #tpu.memory_space<vmem>>, vector<1x16xf32>,
        %get3A_231 = vector.shape_cast %get3A_230 : vector<1x16xf32> to vector<16xf32>
        %mul3A_232 = arith.constant 11.3137083 : f32
        %mul3A_233 = vector.broadcast %mul3A_232 : f32 to vector<16xf32>
        %mul3A_234 = arith.mulf %get3A_231, %mul3A_233 : vector<16xf32>
        %swap3A_235 = arith.index_cast %scan3A_191 : i32 to index
        %swap3A_236 = arith.constant 48 : index
        %swap3A_237 = tpu.vector_load %arg9[%swap3A_235, %swap3A_236] {strides = array<i32>} : memref<200x128xf32, #tpu.memory_space<vmem>>, vector<1x16xf32>,
        %swap3A_238 = vector.shape_cast %swap3A_237 : vector<1x16xf32> to vector<16xf32>
        %swap3A_239 = vector.shape_cast %mul3A_234 : vector<16xf32> to vector<1x16xf32>
        tpu.vector_store %arg9[%swap3A_235, %swap3A_236], %swap3A_239 {strides = array<i32>} : memref<200x128xf32, #tpu.memory_space<vmem>>, vector<1x16xf32>,
        %get3A_240 = arith.index_cast %scan3A_191 : i32 to index
        %get3A_241 = arith.constant 64 : index
        %get3A_242 = tpu.vector_load %arg7[%get3A_240, %get3A_241] {strides = array<i32>} : memref<200x128xf32, #tpu.memory_space<vmem>>, vector<1x16xf32>,
        %get3A_243 = vector.shape_cast %get3A_242 : vector<1x16xf32> to vector<16xf32>
        %mul3A_244 = arith.constant 11.3137083 : f32
        %mul3A_245 = vector.broadcast %mul3A_244 : f32 to vector<16xf32>
        %mul3A_246 = arith.mulf %get3A_243, %mul3A_245 : vector<16xf32>
        %swap3A_247 = arith.index_cast %scan3A_191 : i32 to index
        %swap3A_248 = arith.constant 64 : index
        %swap3A_249 = tpu.vector_load %arg9[%swap3A_247, %swap3A_248] {strides = array<i32>} : memref<200x128xf32, #tpu.memory_space<vmem>>, vector<1x16xf32>,
        %swap3A_250 = vector.shape_cast %swap3A_249 : vector<1x16xf32> to vector<16xf32>
        %swap3A_251 = vector.shape_cast %mul3A_246 : vector<16xf32> to vector<1x16xf32>
        tpu.vector_store %arg9[%swap3A_247, %swap3A_248], %swap3A_251 {strides = array<i32>} : memref<200x128xf32, #tpu.memory_space<vmem>>, vector<1x16xf32>,
        %get3A_252 = arith.index_cast %scan3A_191 : i32 to index
        %get3A_253 = arith.constant 80 : index
        %get3A_254 = tpu.vector_load %arg7[%get3A_252, %get3A_253] {strides = array<i32>} : memref<200x128xf32, #tpu.memory_space<vmem>>, vector<1x16xf32>,
        %get3A_255 = vector.shape_cast %get3A_254 : vector<1x16xf32> to vector<16xf32>
        %mul3A_256 = arith.constant 11.3137083 : f32
        %mul3A_257 = vector.broadcast %mul3A_256 : f32 to vector<16xf32>
        %mul3A_258 = arith.mulf %get3A_255, %mul3A_257 : vector<16xf32>
        %swap3A_259 = arith.index_cast %scan3A_191 : i32 to index
        %swap3A_260 = arith.constant 80 : index
        %swap3A_261 = tpu.vector_load %arg9[%swap3A_259, %swap3A_260] {strides = array<i32>} : memref<200x128xf32, #tpu.memory_space<vmem>>, vector<1x16xf32>,
        %swap3A_262 = vector.shape_cast %swap3A_261 : vector<1x16xf32> to vector<16xf32>
        %swap3A_263 = vector.shape_cast %mul3A_258 : vector<16xf32> to vector<1x16xf32>
        tpu.vector_store %arg9[%swap3A_259, %swap3A_260], %swap3A_263 {strides = array<i32>} : memref<200x128xf32, #tpu.memory_space<vmem>>, vector<1x16xf32>,
        %get3A_264 = arith.index_cast %scan3A_191 : i32 to index
        %get3A_265 = arith.constant 96 : index
        %get3A_266 = tpu.vector_load %arg7[%get3A_264, %get3A_265] {strides = array<i32>} : memref<200x128xf32, #tpu.memory_space<vmem>>, vector<1x16xf32>,
        %get3A_267 = vector.shape_cast %get3A_266 : vector<1x16xf32> to vector<16xf32>
        %mul3A_268 = arith.constant 11.3137083 : f32
        %mul3A_269 = vector.broadcast %mul3A_268 : f32 to vector<16xf32>
        %mul3A_270 = arith.mulf %get3A_267, %mul3A_269 : vector<16xf32>
        %swap3A_271 = arith.index_cast %scan3A_191 : i32 to index
        %swap3A_272 = arith.constant 96 : index
        %swap3A_273 = tpu.vector_load %arg9[%swap3A_271, %swap3A_272] {strides = array<i32>} : memref<200x128xf32, #tpu.memory_space<vmem>>, vector<1x16xf32>,
        %swap3A_274 = vector.shape_cast %swap3A_273 : vector<1x16xf32> to vector<16xf32>
        %swap3A_275 = vector.shape_cast %mul3A_270 : vector<16xf32> to vector<1x16xf32>
        tpu.vector_store %arg9[%swap3A_271, %swap3A_272], %swap3A_275 {strides = array<i32>} : memref<200x128xf32, #tpu.memory_space<vmem>>, vector<1x16xf32>,
        %get3A_276 = arith.index_cast %scan3A_191 : i32 to index
        %get3A_277 = arith.constant 112 : index
        %get3A_278 = tpu.vector_load %arg7[%get3A_276, %get3A_277] {strides = array<i32>} : memref<200x128xf32, #tpu.memory_space<vmem>>, vector<1x16xf32>,
        %get3A_279 = vector.shape_cast %get3A_278 : vector<1x16xf32> to vector<16xf32>
        %mul3A_280 = arith.constant 11.3137083 : f32
        %mul3A_281 = vector.broadcast %mul3A_280 : f32 to vector<16xf32>
        %mul3A_282 = arith.mulf %get3A_279, %mul3A_281 : vector<16xf32>
        %swap3A_283 = arith.index_cast %scan3A_191 : i32 to index
        %swap3A_284 = arith.constant 112 : index
        %swap3A_285 = tpu.vector_load %arg9[%swap3A_283, %swap3A_284] {strides = array<i32>} : memref<200x128xf32, #tpu.memory_space<vmem>>, vector<1x16xf32>,
        %swap3A_286 = vector.shape_cast %swap3A_285 : vector<1x16xf32> to vector<16xf32>
        %swap3A_287 = vector.shape_cast %mul3A_282 : vector<16xf32> to vector<1x16xf32>
        tpu.vector_store %arg9[%swap3A_283, %swap3A_284], %swap3A_287 {strides = array<i32>} : memref<200x128xf32, #tpu.memory_space<vmem>>, vector<1x16xf32>,
      }
      %scan3A_54 = arith.constant 200 : i32
      %mul3A_55 = arith.constant 200 : i32
      %mul3A_56 = arith.muli %add3A_29, %mul3A_55 : i32
      %add3A_57 = arith.addi %mul3A_2, %mul3A_56 : i32
      %dma_start3A_58 = arith.constant 0 : i32
      %dma_start3A_59 = tpu.memref_slice %arg4[%add3A_57, %dma_start3A_58] : memref<819200x128xf32, #tpu.memory_space<hbm>> -> memref<200x128xf32, #tpu.memory_space<hbm>>
      %dma_start3A_60 = arith.constant 0 : i32
      %dma_start3A_61 = tpu.memref_slice %arg4[%add3A_57, %dma_start3A_60] : memref<819200x128xf32, #tpu.memory_space<hbm>> -> memref<200x128xf32, #tpu.memory_space<hbm>>
      tpu.enqueue_dma source(%arg9 : memref<200x128xf32, #tpu.memory_space<vmem>>) target(%dma_start3A_61 : memref<200x128xf32, #tpu.memory_space<hbm>>) target_semaphore(%arg15 : memref<!tpu.dma_semaphore, #tpu.memory_space<semaphore_mem>>)
      %mul3A_62 = arith.constant 2 : i32
      %mul3A_63 = arith.muli %mul3A_62, %scan3A_25 : i32
      %add3A_64 = arith.constant 1 : i32
      %add3A_65 = arith.addi %mul3A_63, %add3A_64 : i32
      %lt3A_66 = arith.constant 63 : i32
      %lt3A_67 = arith.cmpi slt, %scan3A_25, %lt3A_66 : i32
      %convert_element_type3A_68 = arith.extui %lt3A_67 : i1 to i32
      %cond3A_69 = arith.constant 0 : i32
      %cond3A_70 = arith.cmpi ne, %convert_element_type3A_68, %cond3A_69 : i32
      scf.if %cond3A_70 {
        %add3A_95 = arith.constant 1 : i32
        %add3A_96 = arith.addi %add3A_65, %add3A_95 : i32
        %mul3A_97 = arith.constant 200 : i32
        %mul3A_98 = arith.muli %add3A_96, %mul3A_97 : i32
        %add3A_99 = arith.addi %mul3A_2, %mul3A_98 : i32
        %dma_wait3A_100 = tpu.memref_slice %arg2[%add3A_99] : memref<819200xi32, #tpu.memory_space<hbm>> -> memref<200xi32, #tpu.memory_space<hbm>>
        %dma_wait3A_101 = tpu.memref_slice %arg2[%add3A_99] : memref<819200xi32, #tpu.memory_space<hbm>> -> memref<200xi32, #tpu.memory_space<hbm>>
        tpu.wait_dma2 semaphore(%arg11 : memref<!tpu.dma_semaphore, #tpu.memory_space<semaphore_mem>>) src(%dma_wait3A_101 : memref<200xi32, #tpu.memory_space<hbm>>) dst(%arg5 : memref<200xi32, #tpu.memory_space<vmem>>)
        %dma_start3A_102 = arith.constant 0 : i32
        %dma_start3A_103 = arith.constant 0 : i32
        %dma_start3A_104 = tpu.memref_slice %arg3[%dma_start3A_102, %dma_start3A_103] : memref<1000000x128xf32, #tpu.memory_space<hbm>> -> memref<1000000x128xf32, #tpu.memory_space<hbm>>
        tpu.enqueue_indirect_dma source(%dma_start3A_104 : memref<1000000x128xf32, #tpu.memory_space<hbm>>) target(%arg7 : memref<200x128xf32, #tpu.memory_space<vmem>>) offsets(%arg5 : memref<200xi32, #tpu.memory_space<vmem>>) semaphore(%arg13 : memref<!tpu.dma_semaphore, #tpu.memory_space<semaphore_mem>>)
      } else {
      }
      %dma_wait3A_71 = arith.constant 0 : i32
      %dma_wait3A_72 = arith.constant 0 : i32
      %dma_wait3A_73 = tpu.memref_slice %arg3[%dma_wait3A_71, %dma_wait3A_72] : memref<1000000x128xf32, #tpu.memory_space<hbm>> -> memref<1000000x128xf32, #tpu.memory_space<hbm>>
      tpu.wait_indirect_dma semaphore(%arg14 : memref<!tpu.dma_semaphore, #tpu.memory_space<semaphore_mem>>) src(%dma_wait3A_73 : memref<1000000x128xf32, #tpu.memory_space<hbm>>) dst(%arg8 : memref<200x128xf32, #tpu.memory_space<vmem>>)
      %convert_element_type3A_74 = arith.extui %lt3A_67 : i1 to i32
      %cond3A_75 = arith.constant 0 : i32
      %cond3A_76 = arith.cmpi ne, %convert_element_type3A_74, %cond3A_75 : i32
      scf.if %cond3A_76 {
        %add3A_95 = arith.constant 2 : i32
        %add3A_96 = arith.addi %add3A_65, %add3A_95 : i32
        %mul3A_97 = arith.constant 200 : i32
        %mul3A_98 = arith.muli %add3A_96, %mul3A_97 : i32
        %add3A_99 = arith.addi %mul3A_2, %mul3A_98 : i32
        %dma_start3A_100 = tpu.memref_slice %arg2[%add3A_99] : memref<819200xi32, #tpu.memory_space<hbm>> -> memref<200xi32, #tpu.memory_space<hbm>>
        %dma_start3A_101 = tpu.memref_slice %arg2[%add3A_99] : memref<819200xi32, #tpu.memory_space<hbm>> -> memref<200xi32, #tpu.memory_space<hbm>>
        tpu.enqueue_dma source(%dma_start3A_101 : memref<200xi32, #tpu.memory_space<hbm>>) target(%arg6 : memref<200xi32, #tpu.memory_space<vmem>>) target_semaphore(%arg12 : memref<!tpu.dma_semaphore, #tpu.memory_space<semaphore_mem>>)
      } else {
      }
      %ge3A_77 = arith.constant 1 : i32
      %ge3A_78 = arith.cmpi sge, %scan3A_25, %ge3A_77 : i32
      %convert_element_type3A_79 = arith.extui %ge3A_78 : i1 to i32
      %cond3A_80 = arith.constant 0 : i32
      %cond3A_81 = arith.cmpi ne, %convert_element_type3A_79, %cond3A_80 : i32
      scf.if %cond3A_81 {
        %sub3A = arith.constant 2 : i32
        %sub3A_95 = arith.subi %add3A_65, %sub3A : i32
        %mul3A_96 = arith.constant 200 : i32
        %mul3A_97 = arith.muli %sub3A_95, %mul3A_96 : i32
        %add3A_98 = arith.addi %mul3A_2, %mul3A_97 : i32
        %dma_wait3A_99 = arith.constant 0 : i32
        %dma_wait3A_100 = tpu.memref_slice %arg4[%add3A_98, %dma_wait3A_99] : memref<819200x128xf32, #tpu.memory_space<hbm>> -> memref<200x128xf32, #tpu.memory_space<hbm>>
        %dma_wait3A_101 = arith.constant 0 : i32
        %dma_wait3A_102 = tpu.memref_slice %arg4[%add3A_98, %dma_wait3A_101] : memref<819200x128xf32, #tpu.memory_space<hbm>> -> memref<200x128xf32, #tpu.memory_space<hbm>>
        tpu.wait_dma2 semaphore(%arg16 : memref<!tpu.dma_semaphore, #tpu.memory_space<semaphore_mem>>) src(%arg10 : memref<200x128xf32, #tpu.memory_space<vmem>>) dst(%dma_wait3A_102 : memref<200x128xf32, #tpu.memory_space<hbm>>)
      } else {
      }
      %scan3A_82 = arith.constant 0 : i32
      %scan3A_83 = arith.constant 0 : i32
      %scan3A_84 = arith.constant 200 : i32
      %scan3A_85 = arith.addi %scan3A_83, %scan3A_84 : i32
      %scan3A_86 = arith.constant 2 : i32
      scf.for %scan3A_95 = %scan3A_83 to %scan3A_85 step %scan3A_86  : i32 {
        %get3A = arith.index_cast %scan3A_95 : i32 to index
        %get3A_96 = arith.constant 0 : index
        %get3A_97 = tpu.vector_load %arg8[%get3A, %get3A_96] {strides = array<i32>} : memref<200x128xf32, #tpu.memory_space<vmem>>, vector<1x16xf32>,
        %get3A_98 = vector.shape_cast %get3A_97 : vector<1x16xf32> to vector<16xf32>
        %mul3A_99 = arith.constant 11.3137083 : f32
        %mul3A_100 = vector.broadcast %mul3A_99 : f32 to vector<16xf32>
        %mul3A_101 = arith.mulf %get3A_98, %mul3A_100 : vector<16xf32>
        %swap3A = arith.index_cast %scan3A_95 : i32 to index
        %swap3A_102 = arith.constant 0 : index
        %swap3A_103 = tpu.vector_load %arg10[%swap3A, %swap3A_102] {strides = array<i32>} : memref<200x128xf32, #tpu.memory_space<vmem>>, vector<1x16xf32>,
        %swap3A_104 = vector.shape_cast %swap3A_103 : vector<1x16xf32> to vector<16xf32>
        %swap3A_105 = vector.shape_cast %mul3A_101 : vector<16xf32> to vector<1x16xf32>
        tpu.vector_store %arg10[%swap3A, %swap3A_102], %swap3A_105 {strides = array<i32>} : memref<200x128xf32, #tpu.memory_space<vmem>>, vector<1x16xf32>,
        %get3A_106 = arith.index_cast %scan3A_95 : i32 to index
        %get3A_107 = arith.constant 16 : index
        %get3A_108 = tpu.vector_load %arg8[%get3A_106, %get3A_107] {strides = array<i32>} : memref<200x128xf32, #tpu.memory_space<vmem>>, vector<1x16xf32>,
        %get3A_109 = vector.shape_cast %get3A_108 : vector<1x16xf32> to vector<16xf32>
        %mul3A_110 = arith.constant 11.3137083 : f32
        %mul3A_111 = vector.broadcast %mul3A_110 : f32 to vector<16xf32>
        %mul3A_112 = arith.mulf %get3A_109, %mul3A_111 : vector<16xf32>
        %swap3A_113 = arith.index_cast %scan3A_95 : i32 to index
        %swap3A_114 = arith.constant 16 : index
        %swap3A_115 = tpu.vector_load %arg10[%swap3A_113, %swap3A_114] {strides = array<i32>} : memref<200x128xf32, #tpu.memory_space<vmem>>, vector<1x16xf32>,
        %swap3A_116 = vector.shape_cast %swap3A_115 : vector<1x16xf32> to vector<16xf32>
        %swap3A_117 = vector.shape_cast %mul3A_112 : vector<16xf32> to vector<1x16xf32>
        tpu.vector_store %arg10[%swap3A_113, %swap3A_114], %swap3A_117 {strides = array<i32>} : memref<200x128xf32, #tpu.memory_space<vmem>>, vector<1x16xf32>,
        %get3A_118 = arith.index_cast %scan3A_95 : i32 to index
        %get3A_119 = arith.constant 32 : index
        %get3A_120 = tpu.vector_load %arg8[%get3A_118, %get3A_119] {strides = array<i32>} : memref<200x128xf32, #tpu.memory_space<vmem>>, vector<1x16xf32>,
        %get3A_121 = vector.shape_cast %get3A_120 : vector<1x16xf32> to vector<16xf32>
        %mul3A_122 = arith.constant 11.3137083 : f32
        %mul3A_123 = vector.broadcast %mul3A_122 : f32 to vector<16xf32>
        %mul3A_124 = arith.mulf %get3A_121, %mul3A_123 : vector<16xf32>
        %swap3A_125 = arith.index_cast %scan3A_95 : i32 to index
        %swap3A_126 = arith.constant 32 : index
        %swap3A_127 = tpu.vector_load %arg10[%swap3A_125, %swap3A_126] {strides = array<i32>} : memref<200x128xf32, #tpu.memory_space<vmem>>, vector<1x16xf32>,
        %swap3A_128 = vector.shape_cast %swap3A_127 : vector<1x16xf32> to vector<16xf32>
        %swap3A_129 = vector.shape_cast %mul3A_124 : vector<16xf32> to vector<1x16xf32>
        tpu.vector_store %arg10[%swap3A_125, %swap3A_126], %swap3A_129 {strides = array<i32>} : memref<200x128xf32, #tpu.memory_space<vmem>>, vector<1x16xf32>,
        %get3A_130 = arith.index_cast %scan3A_95 : i32 to index
        %get3A_131 = arith.constant 48 : index
        %get3A_132 = tpu.vector_load %arg8[%get3A_130, %get3A_131] {strides = array<i32>} : memref<200x128xf32, #tpu.memory_space<vmem>>, vector<1x16xf32>,
        %get3A_133 = vector.shape_cast %get3A_132 : vector<1x16xf32> to vector<16xf32>
        %mul3A_134 = arith.constant 11.3137083 : f32
        %mul3A_135 = vector.broadcast %mul3A_134 : f32 to vector<16xf32>
        %mul3A_136 = arith.mulf %get3A_133, %mul3A_135 : vector<16xf32>
        %swap3A_137 = arith.index_cast %scan3A_95 : i32 to index
        %swap3A_138 = arith.constant 48 : index
        %swap3A_139 = tpu.vector_load %arg10[%swap3A_137, %swap3A_138] {strides = array<i32>} : memref<200x128xf32, #tpu.memory_space<vmem>>, vector<1x16xf32>,
        %swap3A_140 = vector.shape_cast %swap3A_139 : vector<1x16xf32> to vector<16xf32>
        %swap3A_141 = vector.shape_cast %mul3A_136 : vector<16xf32> to vector<1x16xf32>
        tpu.vector_store %arg10[%swap3A_137, %swap3A_138], %swap3A_141 {strides = array<i32>} : memref<200x128xf32, #tpu.memory_space<vmem>>, vector<1x16xf32>,
        %get3A_142 = arith.index_cast %scan3A_95 : i32 to index
        %get3A_143 = arith.constant 64 : index
        %get3A_144 = tpu.vector_load %arg8[%get3A_142, %get3A_143] {strides = array<i32>} : memref<200x128xf32, #tpu.memory_space<vmem>>, vector<1x16xf32>,
        %get3A_145 = vector.shape_cast %get3A_144 : vector<1x16xf32> to vector<16xf32>
        %mul3A_146 = arith.constant 11.3137083 : f32
        %mul3A_147 = vector.broadcast %mul3A_146 : f32 to vector<16xf32>
        %mul3A_148 = arith.mulf %get3A_145, %mul3A_147 : vector<16xf32>
        %swap3A_149 = arith.index_cast %scan3A_95 : i32 to index
        %swap3A_150 = arith.constant 64 : index
        %swap3A_151 = tpu.vector_load %arg10[%swap3A_149, %swap3A_150] {strides = array<i32>} : memref<200x128xf32, #tpu.memory_space<vmem>>, vector<1x16xf32>,
        %swap3A_152 = vector.shape_cast %swap3A_151 : vector<1x16xf32> to vector<16xf32>
        %swap3A_153 = vector.shape_cast %mul3A_148 : vector<16xf32> to vector<1x16xf32>
        tpu.vector_store %arg10[%swap3A_149, %swap3A_150], %swap3A_153 {strides = array<i32>} : memref<200x128xf32, #tpu.memory_space<vmem>>, vector<1x16xf32>,
        %get3A_154 = arith.index_cast %scan3A_95 : i32 to index
        %get3A_155 = arith.constant 80 : index
        %get3A_156 = tpu.vector_load %arg8[%get3A_154, %get3A_155] {strides = array<i32>} : memref<200x128xf32, #tpu.memory_space<vmem>>, vector<1x16xf32>,
        %get3A_157 = vector.shape_cast %get3A_156 : vector<1x16xf32> to vector<16xf32>
        %mul3A_158 = arith.constant 11.3137083 : f32
        %mul3A_159 = vector.broadcast %mul3A_158 : f32 to vector<16xf32>
        %mul3A_160 = arith.mulf %get3A_157, %mul3A_159 : vector<16xf32>
        %swap3A_161 = arith.index_cast %scan3A_95 : i32 to index
        %swap3A_162 = arith.constant 80 : index
        %swap3A_163 = tpu.vector_load %arg10[%swap3A_161, %swap3A_162] {strides = array<i32>} : memref<200x128xf32, #tpu.memory_space<vmem>>, vector<1x16xf32>,
        %swap3A_164 = vector.shape_cast %swap3A_163 : vector<1x16xf32> to vector<16xf32>
        %swap3A_165 = vector.shape_cast %mul3A_160 : vector<16xf32> to vector<1x16xf32>
        tpu.vector_store %arg10[%swap3A_161, %swap3A_162], %swap3A_165 {strides = array<i32>} : memref<200x128xf32, #tpu.memory_space<vmem>>, vector<1x16xf32>,
        %get3A_166 = arith.index_cast %scan3A_95 : i32 to index
        %get3A_167 = arith.constant 96 : index
        %get3A_168 = tpu.vector_load %arg8[%get3A_166, %get3A_167] {strides = array<i32>} : memref<200x128xf32, #tpu.memory_space<vmem>>, vector<1x16xf32>,
        %get3A_169 = vector.shape_cast %get3A_168 : vector<1x16xf32> to vector<16xf32>
        %mul3A_170 = arith.constant 11.3137083 : f32
        %mul3A_171 = vector.broadcast %mul3A_170 : f32 to vector<16xf32>
        %mul3A_172 = arith.mulf %get3A_169, %mul3A_171 : vector<16xf32>
        %swap3A_173 = arith.index_cast %scan3A_95 : i32 to index
        %swap3A_174 = arith.constant 96 : index
        %swap3A_175 = tpu.vector_load %arg10[%swap3A_173, %swap3A_174] {strides = array<i32>} : memref<200x128xf32, #tpu.memory_space<vmem>>, vector<1x16xf32>,
        %swap3A_176 = vector.shape_cast %swap3A_175 : vector<1x16xf32> to vector<16xf32>
        %swap3A_177 = vector.shape_cast %mul3A_172 : vector<16xf32> to vector<1x16xf32>
        tpu.vector_store %arg10[%swap3A_173, %swap3A_174], %swap3A_177 {strides = array<i32>} : memref<200x128xf32, #tpu.memory_space<vmem>>, vector<1x16xf32>,
        %get3A_178 = arith.index_cast %scan3A_95 : i32 to index
        %get3A_179 = arith.constant 112 : index
        %get3A_180 = tpu.vector_load %arg8[%get3A_178, %get3A_179] {strides = array<i32>} : memref<200x128xf32, #tpu.memory_space<vmem>>, vector<1x16xf32>,
        %get3A_181 = vector.shape_cast %get3A_180 : vector<1x16xf32> to vector<16xf32>
        %mul3A_182 = arith.constant 11.3137083 : f32
        %mul3A_183 = vector.broadcast %mul3A_182 : f32 to vector<16xf32>
        %mul3A_184 = arith.mulf %get3A_181, %mul3A_183 : vector<16xf32>
        %swap3A_185 = arith.index_cast %scan3A_95 : i32 to index
        %swap3A_186 = arith.constant 112 : index
        %swap3A_187 = tpu.vector_load %arg10[%swap3A_185, %swap3A_186] {strides = array<i32>} : memref<200x128xf32, #tpu.memory_space<vmem>>, vector<1x16xf32>,
        %swap3A_188 = vector.shape_cast %swap3A_187 : vector<1x16xf32> to vector<16xf32>
        %swap3A_189 = vector.shape_cast %mul3A_184 : vector<16xf32> to vector<1x16xf32>
        tpu.vector_store %arg10[%swap3A_185, %swap3A_186], %swap3A_189 {strides = array<i32>} : memref<200x128xf32, #tpu.memory_space<vmem>>, vector<1x16xf32>,
        %scan3A_190 = arith.constant 1 : i32
        %scan3A_191 = arith.addi %scan3A_95, %scan3A_190 : i32
        %get3A_192 = arith.index_cast %scan3A_191 : i32 to index
        %get3A_193 = arith.constant 0 : index
        %get3A_194 = tpu.vector_load %arg8[%get3A_192, %get3A_193] {strides = array<i32>} : memref<200x128xf32, #tpu.memory_space<vmem>>, vector<1x16xf32>,
        %get3A_195 = vector.shape_cast %get3A_194 : vector<1x16xf32> to vector<16xf32>
        %mul3A_196 = arith.constant 11.3137083 : f32
        %mul3A_197 = vector.broadcast %mul3A_196 : f32 to vector<16xf32>
        %mul3A_198 = arith.mulf %get3A_195, %mul3A_197 : vector<16xf32>
        %swap3A_199 = arith.index_cast %scan3A_191 : i32 to index
        %swap3A_200 = arith.constant 0 : index
        %swap3A_201 = tpu.vector_load %arg10[%swap3A_199, %swap3A_200] {strides = array<i32>} : memref<200x128xf32, #tpu.memory_space<vmem>>, vector<1x16xf32>,
        %swap3A_202 = vector.shape_cast %swap3A_201 : vector<1x16xf32> to vector<16xf32>
        %swap3A_203 = vector.shape_cast %mul3A_198 : vector<16xf32> to vector<1x16xf32>
        tpu.vector_store %arg10[%swap3A_199, %swap3A_200], %swap3A_203 {strides = array<i32>} : memref<200x128xf32, #tpu.memory_space<vmem>>, vector<1x16xf32>,
        %get3A_204 = arith.index_cast %scan3A_191 : i32 to index
        %get3A_205 = arith.constant 16 : index
        %get3A_206 = tpu.vector_load %arg8[%get3A_204, %get3A_205] {strides = array<i32>} : memref<200x128xf32, #tpu.memory_space<vmem>>, vector<1x16xf32>,
        %get3A_207 = vector.shape_cast %get3A_206 : vector<1x16xf32> to vector<16xf32>
        %mul3A_208 = arith.constant 11.3137083 : f32
        %mul3A_209 = vector.broadcast %mul3A_208 : f32 to vector<16xf32>
        %mul3A_210 = arith.mulf %get3A_207, %mul3A_209 : vector<16xf32>
        %swap3A_211 = arith.index_cast %scan3A_191 : i32 to index
        %swap3A_212 = arith.constant 16 : index
        %swap3A_213 = tpu.vector_load %arg10[%swap3A_211, %swap3A_212] {strides = array<i32>} : memref<200x128xf32, #tpu.memory_space<vmem>>, vector<1x16xf32>,
        %swap3A_214 = vector.shape_cast %swap3A_213 : vector<1x16xf32> to vector<16xf32>
        %swap3A_215 = vector.shape_cast %mul3A_210 : vector<16xf32> to vector<1x16xf32>
        tpu.vector_store %arg10[%swap3A_211, %swap3A_212], %swap3A_215 {strides = array<i32>} : memref<200x128xf32, #tpu.memory_space<vmem>>, vector<1x16xf32>,
        %get3A_216 = arith.index_cast %scan3A_191 : i32 to index
        %get3A_217 = arith.constant 32 : index
        %get3A_218 = tpu.vector_load %arg8[%get3A_216, %get3A_217] {strides = array<i32>} : memref<200x128xf32, #tpu.memory_space<vmem>>, vector<1x16xf32>,
        %get3A_219 = vector.shape_cast %get3A_218 : vector<1x16xf32> to vector<16xf32>
        %mul3A_220 = arith.constant 11.3137083 : f32
        %mul3A_221 = vector.broadcast %mul3A_220 : f32 to vector<16xf32>
        %mul3A_222 = arith.mulf %get3A_219, %mul3A_221 : vector<16xf32>
        %swap3A_223 = arith.index_cast %scan3A_191 : i32 to index
        %swap3A_224 = arith.constant 32 : index
        %swap3A_225 = tpu.vector_load %arg10[%swap3A_223, %swap3A_224] {strides = array<i32>} : memref<200x128xf32, #tpu.memory_space<vmem>>, vector<1x16xf32>,
        %swap3A_226 = vector.shape_cast %swap3A_225 : vector<1x16xf32> to vector<16xf32>
        %swap3A_227 = vector.shape_cast %mul3A_222 : vector<16xf32> to vector<1x16xf32>
        tpu.vector_store %arg10[%swap3A_223, %swap3A_224], %swap3A_227 {strides = array<i32>} : memref<200x128xf32, #tpu.memory_space<vmem>>, vector<1x16xf32>,
        %get3A_228 = arith.index_cast %scan3A_191 : i32 to index
        %get3A_229 = arith.constant 48 : index
        %get3A_230 = tpu.vector_load %arg8[%get3A_228, %get3A_229] {strides = array<i32>} : memref<200x128xf32, #tpu.memory_space<vmem>>, vector<1x16xf32>,
        %get3A_231 = vector.shape_cast %get3A_230 : vector<1x16xf32> to vector<16xf32>
        %mul3A_232 = arith.constant 11.3137083 : f32
        %mul3A_233 = vector.broadcast %mul3A_232 : f32 to vector<16xf32>
        %mul3A_234 = arith.mulf %get3A_231, %mul3A_233 : vector<16xf32>
        %swap3A_235 = arith.index_cast %scan3A_191 : i32 to index
        %swap3A_236 = arith.constant 48 : index
        %swap3A_237 = tpu.vector_load %arg10[%swap3A_235, %swap3A_236] {strides = array<i32>} : memref<200x128xf32, #tpu.memory_space<vmem>>, vector<1x16xf32>,
        %swap3A_238 = vector.shape_cast %swap3A_237 : vector<1x16xf32> to vector<16xf32>
        %swap3A_239 = vector.shape_cast %mul3A_234 : vector<16xf32> to vector<1x16xf32>
        tpu.vector_store %arg10[%swap3A_235, %swap3A_236], %swap3A_239 {strides = array<i32>} : memref<200x128xf32, #tpu.memory_space<vmem>>, vector<1x16xf32>,
        %get3A_240 = arith.index_cast %scan3A_191 : i32 to index
        %get3A_241 = arith.constant 64 : index
        %get3A_242 = tpu.vector_load %arg8[%get3A_240, %get3A_241] {strides = array<i32>} : memref<200x128xf32, #tpu.memory_space<vmem>>, vector<1x16xf32>,
        %get3A_243 = vector.shape_cast %get3A_242 : vector<1x16xf32> to vector<16xf32>
        %mul3A_244 = arith.constant 11.3137083 : f32
        %mul3A_245 = vector.broadcast %mul3A_244 : f32 to vector<16xf32>
        %mul3A_246 = arith.mulf %get3A_243, %mul3A_245 : vector<16xf32>
        %swap3A_247 = arith.index_cast %scan3A_191 : i32 to index
        %swap3A_248 = arith.constant 64 : index
        %swap3A_249 = tpu.vector_load %arg10[%swap3A_247, %swap3A_248] {strides = array<i32>} : memref<200x128xf32, #tpu.memory_space<vmem>>, vector<1x16xf32>,
        %swap3A_250 = vector.shape_cast %swap3A_249 : vector<1x16xf32> to vector<16xf32>
        %swap3A_251 = vector.shape_cast %mul3A_246 : vector<16xf32> to vector<1x16xf32>
        tpu.vector_store %arg10[%swap3A_247, %swap3A_248], %swap3A_251 {strides = array<i32>} : memref<200x128xf32, #tpu.memory_space<vmem>>, vector<1x16xf32>,
        %get3A_252 = arith.index_cast %scan3A_191 : i32 to index
        %get3A_253 = arith.constant 80 : index
        %get3A_254 = tpu.vector_load %arg8[%get3A_252, %get3A_253] {strides = array<i32>} : memref<200x128xf32, #tpu.memory_space<vmem>>, vector<1x16xf32>,
        %get3A_255 = vector.shape_cast %get3A_254 : vector<1x16xf32> to vector<16xf32>
        %mul3A_256 = arith.constant 11.3137083 : f32
        %mul3A_257 = vector.broadcast %mul3A_256 : f32 to vector<16xf32>
        %mul3A_258 = arith.mulf %get3A_255, %mul3A_257 : vector<16xf32>
        %swap3A_259 = arith.index_cast %scan3A_191 : i32 to index
        %swap3A_260 = arith.constant 80 : index
        %swap3A_261 = tpu.vector_load %arg10[%swap3A_259, %swap3A_260] {strides = array<i32>} : memref<200x128xf32, #tpu.memory_space<vmem>>, vector<1x16xf32>,
        %swap3A_262 = vector.shape_cast %swap3A_261 : vector<1x16xf32> to vector<16xf32>
        %swap3A_263 = vector.shape_cast %mul3A_258 : vector<16xf32> to vector<1x16xf32>
        tpu.vector_store %arg10[%swap3A_259, %swap3A_260], %swap3A_263 {strides = array<i32>} : memref<200x128xf32, #tpu.memory_space<vmem>>, vector<1x16xf32>,
        %get3A_264 = arith.index_cast %scan3A_191 : i32 to index
        %get3A_265 = arith.constant 96 : index
        %get3A_266 = tpu.vector_load %arg8[%get3A_264, %get3A_265] {strides = array<i32>} : memref<200x128xf32, #tpu.memory_space<vmem>>, vector<1x16xf32>,
        %get3A_267 = vector.shape_cast %get3A_266 : vector<1x16xf32> to vector<16xf32>
        %mul3A_268 = arith.constant 11.3137083 : f32
        %mul3A_269 = vector.broadcast %mul3A_268 : f32 to vector<16xf32>
        %mul3A_270 = arith.mulf %get3A_267, %mul3A_269 : vector<16xf32>
        %swap3A_271 = arith.index_cast %scan3A_191 : i32 to index
        %swap3A_272 = arith.constant 96 : index
        %swap3A_273 = tpu.vector_load %arg10[%swap3A_271, %swap3A_272] {strides = array<i32>} : memref<200x128xf32, #tpu.memory_space<vmem>>, vector<1x16xf32>,
        %swap3A_274 = vector.shape_cast %swap3A_273 : vector<1x16xf32> to vector<16xf32>
        %swap3A_275 = vector.shape_cast %mul3A_270 : vector<16xf32> to vector<1x16xf32>
        tpu.vector_store %arg10[%swap3A_271, %swap3A_272], %swap3A_275 {strides = array<i32>} : memref<200x128xf32, #tpu.memory_space<vmem>>, vector<1x16xf32>,
        %get3A_276 = arith.index_cast %scan3A_191 : i32 to index
        %get3A_277 = arith.constant 112 : index
        %get3A_278 = tpu.vector_load %arg8[%get3A_276, %get3A_277] {strides = array<i32>} : memref<200x128xf32, #tpu.memory_space<vmem>>, vector<1x16xf32>,
        %get3A_279 = vector.shape_cast %get3A_278 : vector<1x16xf32> to vector<16xf32>
        %mul3A_280 = arith.constant 11.3137083 : f32
        %mul3A_281 = vector.broadcast %mul3A_280 : f32 to vector<16xf32>
        %mul3A_282 = arith.mulf %get3A_279, %mul3A_281 : vector<16xf32>
        %swap3A_283 = arith.index_cast %scan3A_191 : i32 to index
        %swap3A_284 = arith.constant 112 : index
        %swap3A_285 = tpu.vector_load %arg10[%swap3A_283, %swap3A_284] {strides = array<i32>} : memref<200x128xf32, #tpu.memory_space<vmem>>, vector<1x16xf32>,
        %swap3A_286 = vector.shape_cast %swap3A_285 : vector<1x16xf32> to vector<16xf32>
        %swap3A_287 = vector.shape_cast %mul3A_282 : vector<16xf32> to vector<1x16xf32>
        tpu.vector_store %arg10[%swap3A_283, %swap3A_284], %swap3A_287 {strides = array<i32>} : memref<200x128xf32, #tpu.memory_space<vmem>>, vector<1x16xf32>,
      }
      %scan3A_87 = arith.constant 200 : i32
      %mul3A_88 = arith.constant 200 : i32
      %mul3A_89 = arith.muli %add3A_65, %mul3A_88 : i32
      %add3A_90 = arith.addi %mul3A_2, %mul3A_89 : i32
      %dma_start3A_91 = arith.constant 0 : i32
      %dma_start3A_92 = tpu.memref_slice %arg4[%add3A_90, %dma_start3A_91] : memref<819200x128xf32, #tpu.memory_space<hbm>> -> memref<200x128xf32, #tpu.memory_space<hbm>>
      %dma_start3A_93 = arith.constant 0 : i32
      %dma_start3A_94 = tpu.memref_slice %arg4[%add3A_90, %dma_start3A_93] : memref<819200x128xf32, #tpu.memory_space<hbm>> -> memref<200x128xf32, #tpu.memory_space<hbm>>
      tpu.enqueue_dma source(%arg10 : memref<200x128xf32, #tpu.memory_space<vmem>>) target(%dma_start3A_94 : memref<200x128xf32, #tpu.memory_space<hbm>>) target_semaphore(%arg16 : memref<!tpu.dma_semaphore, #tpu.memory_space<semaphore_mem>>)
    }
    %scan3A_13 = arith.constant 64 : i32
    %add3A_14 = arith.constant 25200 : i32
    %add3A_15 = arith.addi %mul3A_2, %add3A_14 : i32
    %dma_wait3A = arith.constant 0 : i32
    %dma_wait3A_16 = tpu.memref_slice %arg4[%add3A_15, %dma_wait3A] : memref<819200x128xf32, #tpu.memory_space<hbm>> -> memref<200x128xf32, #tpu.memory_space<hbm>>
    %dma_wait3A_17 = arith.constant 0 : i32
    %dma_wait3A_18 = tpu.memref_slice %arg4[%add3A_15, %dma_wait3A_17] : memref<819200x128xf32, #tpu.memory_space<hbm>> -> memref<200x128xf32, #tpu.memory_space<hbm>>
    tpu.wait_dma2 semaphore(%arg15 : memref<!tpu.dma_semaphore, #tpu.memory_space<semaphore_mem>>) src(%arg9 : memref<200x128xf32, #tpu.memory_space<vmem>>) dst(%dma_wait3A_18 : memref<200x128xf32, #tpu.memory_space<hbm>>)
    %add3A_19 = arith.constant 25400 : i32
    %add3A_20 = arith.addi %mul3A_2, %add3A_19 : i32
    %dma_wait3A_21 = arith.constant 0 : i32
    %dma_wait3A_22 = tpu.memref_slice %arg4[%add3A_20, %dma_wait3A_21] : memref<819200x128xf32, #tpu.memory_space<hbm>> -> memref<200x128xf32, #tpu.memory_space<hbm>>
    %dma_wait3A_23 = arith.constant 0 : i32
    %dma_wait3A_24 = tpu.memref_slice %arg4[%add3A_20, %dma_wait3A_23] : memref<819200x128xf32, #tpu.memory_space<hbm>> -> memref<200x128xf32, #tpu.memory_space<hbm>>
    tpu.wait_dma2 semaphore(%arg16 : memref<!tpu.dma_semaphore, #tpu.memory_space<semaphore_mem>>) src(%arg10 : memref<200x128xf32, #tpu.memory_space<vmem>>) dst(%dma_wait3A_24 : memref<200x128xf32, #tpu.memory_space<hbm>>)
    return
  }
}

</mosaic_0001>

<sc_bundles>
// kernel: kernel.3.cloned.1.call-start
scs
__scs_entry_jumppad:
0x0: {  	(pc) =	sbr.rel $0x88, $3  }
0x1: {  	(tag) =	ssettag $0x0;
	lr =	simm.s32 $0x1  }
0x2: {  	[smem:$0x3F9F] =	sst lr;
	_ =	strace $0xD0000000  }
0x3: {  	_ = 	snop  }
0x4: {  	_ = 	snop  }
0x5: {  	_ = 	snop  }
0x6: {  	_ = 	snop  }
0x7: {  	_ = 	snop  }
__scs_overlays_trampoline_lowered:
0x8: {  	[smem:$0x3FAE] =	sst s0  }
0x9: {  	[smem:$0x3FAF] =	sst s1  }
0xa: {  	[smem:$0x3FB0] =	sst s2  }
0xb: {  	[smem:$0x3FB1] =	sst s3  }
0xc: {  	[smem:$0x3FB2] =	sst s4  }
0xd: {  	[smem:$0x3FB3] =	sst s5  }
0xe: {  	[smem:$0x3FB4] =	sst s6  }
0xf: {  	[smem:$0x3FB5] =	sst s7  }
0x10: {  	[smem:$0x3FB6] =	sst s8  }
0x11: {  	[smem:$0x3FB7] =	sst s9;
	s0 =	simm.s32 @!p0 $0x0  }
0x12: {  	s1 =	sld [smem:$0x3F9D];
	s0 =	simm.s32 @p0 $0x1  }
0x13: {  	[smem:$0x3FB8] =	sst s0;
	s0 =	simm.s32 @!p1 $0x0  }
0x14: {  	s2 =	sld [smem:$0x3F9C];
	s0 =	simm.s32 @p1 $0x1  }
0x15: {  	[smem:$0x3FB9] =	sst s0;
	s0 =	simm.s32 @!p2 $0x0  }
0x16: {  	s3 =	sld [smem:$0x3FDB];
	s0 =	simm.s32 @p2 $0x1  }
0x17: {  	s4 =	simm.s32 $0x1BF5;
	[smem:$0x3FBB] =	sst s0  }
0x18: {  	s0 =	sld [smem:$0x3F9E];
	_ =	swait.ge [sflag:s4], $0x0  }
0x19: {  	s7 =	sld [smem:$0x3F9F]  }
0x1a: {  	s8 =	sadd.s32 $0xFFFFE003, lr  }
0x1b: {  	s9 =	sadd.s32 $0xFFFFFEF7, lr;
	s5 =	simm.s32 $0xFFFFFFFF;
	p2 =	slt.u32 s8, $0xFFFFF086  }
0x1c: {  	p1 =	slt.u32 s9, $0xF7A;
	s5 =	simm.s32 @!p2 $0x0  }
0x1d: {  	s5 =	simm.s32 @p1 $0x1;
	p0 =	seq.s32 s7, s2  }
0x1e: {  	s7 =	smul.u32 @!p0 $0xF7A, s2;
	p2 =	seq.s32 @!p0 s5, $0x0  }
0x1f: {  	s9 =	smul.u32 $0xF7A, s1;
	s8 =	simm.s32 @!p0 $0x1BF5;
	p2 =	por !p2, p0  }
0x20: {  	[sflag:s8] =	ssyncset.s32 @!p0 $0xFFFFF086;
	s6 =	sadd.s32 @!p0 s3, s7;
	s7 =	simm.s32 @!p0 $0x108  }
0x21: {  	s3 =	sadd.s32 s3, s9;
	s6 =	sadd.s32 @!p0 $0x88, s6;
	s7 =	simm.s32 @p2 $0x1082  }
0x22: {  	[simem:s7], [sflag:s8] =	dma.local @!p0 [hbm:s6], $0xF7A  }
0x23: {  	s9 =	sor.u32 $0xD0000000, s2;
	s6 =	simm.s32 $0x108;
	_ =	swait.ge @!p0 [sflag:s8], $0x0  }
0x24: {  	s3 =	sadd.s32 $0x88, s3;
	s6 =	simm.s32 @!p1 $0x1082;
	[sflag:s4] =	ssyncset.s32 $0xFFFFF086  }
0x25: {  	[simem:s6], [sflag:s4] =	dma.local [hbm:s3], $0xF7A  }
0x26: {  	[smem:$0x3F9F] =	sst s1;
	(tag) =	ssettag s2;
	_ =	strace s9  }
0x27: {  	s1 =	sld [smem:$0x3FAF]  }
0x28: {  	s2 =	sld [smem:$0x3FB0]  }
0x29: {  	s4 =	sld [smem:$0x3FB2]  }
0x2a: {  	p0 =	seq.s32 s5, $0x0;
	s5 =	sld [smem:$0x3FB3]  }
0x2b: {  	s6 =	sld [smem:$0x3FB4]  }
0x2c: {  	s7 =	sld [smem:$0x3FB5]  }
0x2d: {  	s3 =	simm.s32 $0x108;
	s8 =	sld [smem:$0x3FB6]  }
0x2e: {  	s3 =	simm.s32 @!p0 $0x1082;
	s9 =	sld [smem:$0x3FB7]  }
0x2f: {  	lr =	sadd.s32 s0, s3;
	s0 =	sld [smem:$0x3FAE]  }
0x30: {  	s3 =	sld [smem:$0x3FB1]  }
0x31: {  	[smem:$0x3FBA] =	sst s10  }
0x32: {  	s10 =	sld [smem:$0x3FB8];
	_ =	sdelay $0x3  }
0x33: {  	p0 =	seq.s32 s10, $0x1;
	s10 =	sld [smem:$0x3FBA];
	_ =	sdelay $0x3  }
0x34: {  	[smem:$0x3FBA] =	sst s10  }
0x35: {  	s10 =	sld [smem:$0x3FB9];
	_ =	sdelay $0x3  }
0x36: {  	p1 =	seq.s32 s10, $0x1;
	s10 =	sld [smem:$0x3FBA];
	_ =	sdelay $0x3  }
0x37: {  	[smem:$0x3FBA] =	sst s10  }
0x38: {  	s10 =	sld [smem:$0x3FBB]  }
0x39: {  	_ = 	snop;
	(pc) =	sbr.ind lr, $3  }
0x3a: {  	_ = 	snop  }
0x3b: {  	_ = 	snop  }
0x3c: {  	p2 =	seq.s32 s10, $0x1;
	s10 =	sld [smem:$0x3FBA]  }
0x3d: {  	_ =	shalt  }
0x3e: {  	_ =	shalt  }
0x3f: {  	_ =	shalt  }
0x40: {  	_ =	shalt  }
0x41: {  	_ =	shalt  }
0x42: {  	_ =	shalt  }
0x43: {  	_ =	shalt  }
0x44: {  	_ =	shalt  }
0x45: {  	_ =	shalt  }
0x46: {  	_ =	shalt  }
0x47: {  	_ =	shalt  }
0x48: {  	_ =	shalt  }
0x49: {  	_ =	shalt  }
0x4a: {  	_ =	shalt  }
0x4b: {  	_ =	shalt  }
0x4c: {  	_ =	shalt  }
0x4d: {  	_ =	shalt  }
0x4e: {  	_ =	shalt  }
0x4f: {  	_ =	shalt  }
0x50: {  	_ =	shalt  }
0x51: {  	_ =	shalt  }
0x52: {  	_ =	shalt  }
0x53: {  	_ =	shalt  }
0x54: {  	_ =	shalt  }
0x55: {  	_ =	shalt  }
0x56: {  	_ =	shalt  }
0x57: {  	_ =	shalt  }
0x58: {  	_ =	shalt  }
0x59: {  	_ =	shalt  }
0x5a: {  	_ =	shalt  }
0x5b: {  	_ =	shalt  }
0x5c: {  	_ =	shalt  }
0x5d: {  	_ =	shalt  }
0x5e: {  	_ =	shalt  }
0x5f: {  	_ =	shalt  }
0x60: {  	_ =	shalt  }
0x61: {  	_ =	shalt  }
0x62: {  	_ =	shalt  }
0x63: {  	_ =	shalt  }
0x64: {  	_ =	shalt  }
0x65: {  	_ =	shalt  }
0x66: {  	_ =	shalt  }
0x67: {  	_ =	shalt  }
0x68: {  	_ =	shalt  }
0x69: {  	_ =	shalt  }
0x6a: {  	_ =	shalt  }
0x6b: {  	_ =	shalt  }
0x6c: {  	_ =	shalt  }
0x6d: {  	_ =	shalt  }
0x6e: {  	_ =	shalt  }
0x6f: {  	_ =	shalt  }
0x70: {  	_ =	shalt  }
0x71: {  	_ =	shalt  }
0x72: {  	_ =	shalt  }
0x73: {  	_ =	shalt  }
0x74: {  	_ =	shalt  }
0x75: {  	_ =	shalt  }
0x76: {  	_ =	shalt  }
0x77: {  	_ =	shalt  }
0x78: {  	_ =	shalt  }
0x79: {  	_ =	shalt  }
0x7a: {  	_ =	shalt  }
0x7b: {  	_ =	shalt  }
0x7c: {  	_ =	shalt  }
0x7d: {  	_ =	shalt  }
0x7e: {  	_ =	shalt  }
0x7f: {  	_ =	shalt  }
0x80: {  	_ =	shalt  }
0x81: {  	_ =	shalt  }
0x82: {  	_ =	shalt  }
0x83: {  	_ =	shalt  }
0x84: {  	_ =	shalt  }
0x85: {  	_ =	shalt  }
0x86: {  	_ =	shalt  }
0x87: {  	_ =	shalt  }
.Lfunc_end0:
.L_simem_size_0:
called_computation_lowered:
.L_overlay_start_0:
0x88: {  	s2 =	sld [smem:$0x3FD9]  }
0x89: {  	s3 =	sld [smem:$0x3FFE];
	_ =	sdelay $0x1  }
0x8a: {  	s1 =	srdreg.scid  }
0x8b: {  	s0 =	sand.u32 $0x1, s1  }
0x8c: {  	s17 =	sshll.u32 s0, $0xA;
	s2 =	sadd.s32 s3, s2  }
0x8d: {  	s2 =	sadd.s32 s2, s17  }
0x8e: {  	[smem:$0x3FC6] =	sst s2  }
0x8f: {  	_ = 	snop  }
0x90: {  	s2 =	sld [smem:$0x3FC8]  }
0x91: {  	s18 =	sld [smem:$0x3FD0];
	(tm) =	ssettm $0x1  }
0x92: {  	s4 =	sld [smem:$0x3FFB];
	_ =	sdelay $0x3  }
0x93: {  	_ =	strace s4  }
0x94: {  	s4 =	sld [smem:$0x3FFC];
	_ =	sdelay $0x3  }
0x95: {  	_ =	strace s4  }
0x96: {  	s4 =	sld [smem:$0x3FFD];
	_ =	sdelay $0x3  }
0x97: {  	_ =	strace s4  }
0x98: {  	_ =	strace $0x8FFFFFFF  }
0x99: {  	s19 =	sld [smem:$0x3FDB];
	_ =	sdelay $0x1  }
0x9a: {  	s5 =	simm.s32 $_scs_section_size  }
0x9b: {  	s6 =	simm.s32 $_size__tile_overlayer_lowered;
	s7 =	simm.s32 $_tile_overlayer_lowered  }
0x9c: {  	s22 =	simm.s32 $0x1BFF;
	s21 =	sshll.u32 s7, $0x1;
	s4 =	sadd.s32 s5, s19  }
0x9d: {  	s8 =	simm.s32 $0x0;
	s20 =	sshll.u32 s6, $0x1;
	s6 =	sadd.s32 s21, s4  }
0x9e: {  	[timem:s8], [sflag:s22] =	dma.local [hbm:s6], s20  }
0x9f: {  	_ =	swait.ge [sflag:s22], s20  }
0xa0: {  	s5 =	ssub.s32 $0x0, s20;
	[sflag:s22] =	ssyncset.done $0x0  }
0xa1: {  	[sflag:s22] =	ssyncadd.s32 s5;
	_ =	sdelay $0x1  }
0xa2: {  	s23 =	simm.s32 $0x1B8B  }
0xa3: {  	_ =	swait.ge [sflag:s23], $0x1  }
0xa4: {  	[sflag:s23] =	ssyncset.done $0x0  }
0xa5: {  	s25 =	simm.s32 $0x1B8E;
	s24 =	sld [smem:$0x3FFE];
	[sflag:s23] =	ssyncadd.s32 $0xFFFFFFFF  }
0xa6: {  	s26 =	simm.s32 $execute0_lowered;
	[smem:$0x3FD2] =	sst s25  }
0xa7: {  	s6 =	sshll.u32 s26, $0x1;
	_ =	strace $0x80000046;
	[dreg:$0x1] =	wrdreg $0xFFFFFFFF  }
0xa8: {  	s28 =	simm.s32 $_size_execute0_lowered;
	s4 =	sadd.s32 s4, s6;
	[dreg:$0x0] =	wrdreg $0x0  }
0xa9: {  	s6 =	sshll.u32 s28, $0x1;
	[dreg:$0x2] =	wrdreg s4  }
0xaa: {  	[dreg:$0x3] =	wrdreg s6  }
0xab: {  	[dreg:$0x4] =	wrdreg $0xC0  }
0xac: {  	_ =	task [dreg:s8], $0x5FFFF  }
0xad: {  	[dreg:$0x1] =	wrdreg $0xFFFFFFFF  }
0xae: {  	[dreg:$0x0] =	wrdreg $0x60  }
0xaf: {  	[dreg:$0x2] =	wrdreg s24  }
0xb0: {  	[dreg:$0x3] =	wrdreg s2  }
0xb1: {  	[dreg:$0x4] =	wrdreg s18  }
0xb2: {  	[dreg:$0x5] =	wrdreg $0x9  }
0xb3: {  	_ =	task.clear_ibuf [dreg:s8], $0x6FFFF;
	_ =	strace $0x90000046  }
0xb4: {  	s29 =	simm.s32 $0x9;
	_ =	strace $0x80000048  }
0xb5: {  	_ =	swait.ge [sflag:s29], $0x1  }
0xb6: {  	[sflag:s29] =	ssyncadd.s32 $0xFFFFFFFF  }
0xb7: {  	_ =	strace $0x90000048  }
0xb8: {  	_ =	sfence  }
0xb9: {  	s30 =	sld [smem:$0x0];
	_ =	sdelay $0x2  }
0xba: {  	s31 =	sshll.u32 s1, $0xD;
	s1 =	sshrl.u32 s1, $0x2  }
0xbb: {  	s3 =	sand.u32 $0x4000, s31;
	s1 =	sadd.s32 s1, s30  }
0xbc: {  	s0 =	sor.u32 s3, s0;
	s1 =	sshll.u32 s1, $0x11  }
0xbd: {  	s0 =	sor.u32 s1, s0  }
0xbe: {  	s0 =	sadd.s32 $0x8F2B, s0  }
0xbf: {  	[sflag:s0] =	ssyncadd.remote.s32 $0x1  }
0xc0: {  	_ =	sfence.sel $0xFFFF  }
0xc1: {  	[dreg:$0x0] =	wrdreg $0xFFFFFFFF;
	(pc) =	sbr.abs _section_cstart, $3  }
0xc2: {  	[dreg:$0x1] =	wrdreg $0xFFFFFFFF  }
0xc3: {  	_ =	task.clear_ibuf [dreg:s8], $0x2FFFF;
	_ =	strace $0x9FFFFFFF  }
0xc4: {  	(tm) =	ssettm $0x7FFFFFFF  }
0xc5: {  	_ =	shalt  }
tec
execute0_lowered:
.L_overlay_start_1:
0x0: {  	(tag) =	ssettag $0x1  }
0x1: {  	s6 =	rddreg [dreg:$0x0]  }
0x2: {  	s1 =	srdreg.scid;
	s2 =	rddreg [dreg:$0x1]  }
0x3: {  	s0 =	stileid.u32;
	s3 =	rddreg [dreg:$0x2];
	s4 =	simm.s32 $0x0  }
0x4: {  	s13 =	simm.s32 $0x7;
	s14 =	simm.s32 $0xC8;
	s15 =	simm.s32 $0x200  }
0x5: {  	s16 =	simm.s32 $0x100;
	s17 =	simm.s32 $0x2;
	s18 =	simm.s32 $0x6600  }
0x6: {  	s19 =	simm.s32 $0x3;
	s20 =	simm.s32 $0xCA00;
	s21 =	simm.s32 $0x12E00  }
0x7: {  	s22 =	simm.s32 $0x5;
	s7 =	sand.u32 $0x1, s1;
	s30 =	sshll.u32 s0, $0x1  }
0x8: {  	s23 =	simm.s32 $0x6;
	s24 =	simm.s32 $0x0;
	s5 =	sor.u32 s7, s30  }
0x9: {  	s1 =	rddreg [dreg:$0x3];
	s8 =	ssub.s32 $0x2, s7;
	s5 =	smul.u32 $0x6400, s5  }
0xa: {  	[smem:$0x7FF] =	sst s4;
	s6 =	sadd.s32 $0x400, s6;
	s9 =	sshrl.u32 s8, $0x1  }
0xb: {  	_ =	strace $0x80000047;
	s12 =	ssub.s32 s8, s9;
	s31 =	sshrl.u32 s5, $0x3  }
0xc: {  	s9 =	sor.u32 $0xC8, s5;
	s10 =	sor.u32 $0x190, s5;
	s7 =	sadd.s32 s6, s31  }
0xd: {  	s11 =	sor.u32 $0x258, s5;
	s12 =	smax.u32 s12, $0x1;
	s8 =	sadd.s32 $0x19, s7  }
.LBB2_1:
0xe: {  	[tilespmem:s4], [sflag:$0x7] =	stream.linear.gather [hbm4b:s7+s4], $0xC8, $0x38;
	[tilespmem:$0x19200] =	vst v63  }
0xf: {  	_ =	swait.ge [sflag:s13], $0xC8  }
0x10: {  	[sflag:s13] =	ssyncset.done $0x0  }
0x11: {  	[sflag:s13] =	ssyncadd.s32 $0xFFFFFF38  }
0x12: {  	[tilespmem:s15], [sflag:$0x3] =	stream.indirect.gather [hbm4b:s2+s14], $0x80, s4, s14, $0xb8;
	[tilespmem:$0x19200] =	vst v63  }
0x13: {  	s25 =	simm.s32 $0x0  }
0x14: {  	[tilespmem:s16], [sflag:$0x2] =	stream.linear.gather [hbm4b:s8+s4], $0xC8, $0x38;
	[tilespmem:$0x19200] =	vst v63  }
.LBB2_2:
0x15: {  	_ =	swait.ge [sflag:s17], $0xC8;
	p0 =	seq.s32 s25, $0x3F  }
0x16: {  	[sflag:s17] =	ssyncset.done $0x0;
	p1 =	seq.s32 @!p0 s25, $0x0  }
0x17: {  	s28 =	smul.u32 $0x190, s25;
	[sflag:s17] =	ssyncadd.s32 $0xFFFFFF38;
	p1 =	por p0, !p1  }
0x18: {  	[tilespmem:s18], [sflag:$0x4] =	stream.indirect.gather [hbm4b:s2+s14], $0x80, s16, s14, $0xb8;
	[tilespmem:$0x19200] =	vst v63  }
.Ltmp0:
0x19: {  	_ = 	snop;
	(pc) =	sbr.rel @!p1 .LBB2_3-.Ltmp0, $4  }
0x1a: {  	s26 =	sadd.s32 @!p0 s28, s10;
	_ =	swait.ge [sflag:s19], $0x6400  }
0x1b: {  	s26 =	sshrl.u32 @!p0 s26, $0x3;
	[sflag:s19] =	ssyncset.done $0x0  }
0x1c: {  	s29 =	simm.s32 @!p0 $0x0;
	s26 =	sadd.s32 @!p0 s6, s26;
	[sflag:s19] =	ssyncadd.s32 $0xFFFF9C00  }
0x1d: {  	[tilespmem:s29], [sflag:$0x1] =	stream.linear.gather @!p0 [hbm4b:s26+s29], $0xC8, $0x38;
	[tilespmem:$0x19200] =	vst v63  }
.Ltmp1:
0x1e: {  	(pc) =	sbr.rel .LBB2_5-.Ltmp1, $4  }
0x1f: {  	_ = 	snop  }
0x20: {  	_ =	swait.ge [sflag:s22], $0x6400  }
0x21: {  	[sflag:s22] =	ssyncset.done $0x0  }
0x22: {  	p1 =	por $0x0, $0x0;
	[sflag:s22] =	ssyncadd.s32 $0xFFFF9C00  }
.LBB2_3:
0x23: {  	p1 =	por @!p0 $0x1, $0x1  }
.LBB2_5:
0x24: {  	s26 =	simm.s32 $0x280  }
0x25: {  	v0 =	vld [tilespmem:s26+$0xFFFFFF80];
	_ =	sdelay $0x4  }
0x26: {  	v0 =	vmul.f32 $1.131370830e+01, v0  }
0x27: {  	s29 =	simm.s32 $0xCA80  }
0x28: {  	[tilespmem:s29+$0xFFFFFF80] =	vst v0  }
0x29: {  	v0 =	vld [tilespmem:s26+$0xFFFFFF90];
	_ =	sdelay $0x4  }
0x2a: {  	v0 =	vmul.f32 $1.131370830e+01, v0;
	_ =	sdelay $0x1  }
0x2b: {  	[tilespmem:s29+$0xFFFFFF90] =	vst v0  }
0x2c: {  	v0 =	vld [tilespmem:s26+$0xFFFFFFA0];
	_ =	sdelay $0x4  }
0x2d: {  	v0 =	vmul.f32 $1.131370830e+01, v0;
	_ =	sdelay $0x1  }
0x2e: {  	[tilespmem:s29+$0xFFFFFFA0] =	vst v0  }
0x2f: {  	v0 =	vld [tilespmem:s26+$0xFFFFFFB0];
	_ =	sdelay $0x4  }
0x30: {  	v0 =	vmul.f32 $1.131370830e+01, v0;
	_ =	sdelay $0x1  }
0x31: {  	[tilespmem:s29+$0xFFFFFFB0] =	vst v0  }
0x32: {  	v0 =	vld [tilespmem:s26+$0xFFFFFFC0];
	_ =	sdelay $0x4  }
0x33: {  	v0 =	vmul.f32 $1.131370830e+01, v0;
	_ =	sdelay $0x1  }
0x34: {  	[tilespmem:s29+$0xFFFFFFC0] =	vst v0  }
0x35: {  	v0 =	vld [tilespmem:s26+$0xFFFFFFD0];
	_ =	sdelay $0x4  }
0x36: {  	v0 =	vmul.f32 $1.131370830e+01, v0;
	_ =	sdelay $0x1  }
0x37: {  	[tilespmem:s29+$0xFFFFFFD0] =	vst v0  }
0x38: {  	v0 =	vld [tilespmem:s26+$0xFFFFFFE0];
	_ =	sdelay $0x4  }
0x39: {  	v0 =	vmul.f32 $1.131370830e+01, v0;
	_ =	sdelay $0x1  }
0x3a: {  	[tilespmem:s29+$0xFFFFFFE0] =	vst v0  }
0x3b: {  	v0 =	vld [tilespmem:s26+$0xFFFFFFF0];
	_ =	sdelay $0x4  }
0x3c: {  	v0 =	vmul.f32 $1.131370830e+01, v0;
	_ =	sdelay $0x1  }
0x3d: {  	[tilespmem:s29+$0xFFFFFFF0] =	vst v0  }
0x3e: {  	v0 =	vld [tilespmem:s26+$0x0];
	_ =	sdelay $0x4  }
0x3f: {  	v0 =	vmul.f32 $1.131370830e+01, v0;
	_ =	sdelay $0x1  }
0x40: {  	[tilespmem:s29+$0x0] =	vst v0  }
0x41: {  	v0 =	vld [tilespmem:s26+$0x10];
	_ =	sdelay $0x4  }
0x42: {  	v0 =	vmul.f32 $1.131370830e+01, v0;
	_ =	sdelay $0x1  }
0x43: {  	[tilespmem:s29+$0x10] =	vst v0  }
0x44: {  	v0 =	vld [tilespmem:s26+$0x20];
	_ =	sdelay $0x4  }
0x45: {  	v0 =	vmul.f32 $1.131370830e+01, v0;
	_ =	sdelay $0x1  }
0x46: {  	[tilespmem:s29+$0x20] =	vst v0  }
0x47: {  	v0 =	vld [tilespmem:s26+$0x30];
	_ =	sdelay $0x4  }
0x48: {  	v0 =	vmul.f32 $1.131370830e+01, v0;
	_ =	sdelay $0x1  }
0x49: {  	[tilespmem:s29+$0x30] =	vst v0  }
0x4a: {  	v0 =	vld [tilespmem:s26+$0x40];
	_ =	sdelay $0x4  }
0x4b: {  	v0 =	vmul.f32 $1.131370830e+01, v0;
	_ =	sdelay $0x1  }
0x4c: {  	[tilespmem:s29+$0x40] =	vst v0  }
0x4d: {  	v0 =	vld [tilespmem:s26+$0x50];
	_ =	sdelay $0x4  }
0x4e: {  	v0 =	vmul.f32 $1.131370830e+01, v0;
	_ =	sdelay $0x1  }
0x4f: {  	[tilespmem:s29+$0x50] =	vst v0  }
0x50: {  	v0 =	vld [tilespmem:s26+$0x60];
	_ =	sdelay $0x4  }
0x51: {  	v0 =	vmul.f32 $1.131370830e+01, v0;
	_ =	sdelay $0x1  }
0x52: {  	[tilespmem:s29+$0x60] =	vst v0  }
0x53: {  	v0 =	vld [tilespmem:s26+$0x70];
	_ =	sdelay $0x4  }
0x54: {  	v0 =	vmul.f32 $1.131370830e+01, v0;
	_ =	sdelay $0x1  }
0x55: {  	s30 =	simm.s32 $0x0;
	s31 =	simm.s32 $0x380;
	s26 =	sadd.s32 s28, s9;
	[tilespmem:s29+$0x70] =	vst v0  }
.LBB2_6:
0x56: {  	v0 =	vld [tilespmem:s31+$0xFFFFFF80];
	s30 =	sadd.s32 $0x2, s30  }
0x57: {  	p2 =	slt.u32 s30, $0xC6;
	_ =	sdelay $0x3  }
0x58: {  	v0 =	vmul.f32 $1.131370830e+01, v0  }
0x59: {  	s29 =	sadd.s32 $0x100, s29  }
0x5a: {  	[tilespmem:s29+$0xFFFFFF80] =	vst v0  }
0x5b: {  	v0 =	vld [tilespmem:s31+$0xFFFFFF90];
	_ =	sdelay $0x4  }
0x5c: {  	v0 =	vmul.f32 $1.131370830e+01, v0;
	_ =	sdelay $0x1  }
0x5d: {  	[tilespmem:s29+$0xFFFFFF90] =	vst v0  }
0x5e: {  	v0 =	vld [tilespmem:s31+$0xFFFFFFA0];
	_ =	sdelay $0x4  }
0x5f: {  	v0 =	vmul.f32 $1.131370830e+01, v0;
	_ =	sdelay $0x1  }
0x60: {  	[tilespmem:s29+$0xFFFFFFA0] =	vst v0  }
0x61: {  	v0 =	vld [tilespmem:s31+$0xFFFFFFB0];
	_ =	sdelay $0x4  }
0x62: {  	v0 =	vmul.f32 $1.131370830e+01, v0;
	_ =	sdelay $0x1  }
0x63: {  	[tilespmem:s29+$0xFFFFFFB0] =	vst v0  }
0x64: {  	v0 =	vld [tilespmem:s31+$0xFFFFFFC0];
	_ =	sdelay $0x4  }
0x65: {  	v0 =	vmul.f32 $1.131370830e+01, v0;
	_ =	sdelay $0x1  }
0x66: {  	[tilespmem:s29+$0xFFFFFFC0] =	vst v0  }
0x67: {  	v0 =	vld [tilespmem:s31+$0xFFFFFFD0];
	_ =	sdelay $0x4  }
0x68: {  	v0 =	vmul.f32 $1.131370830e+01, v0;
	_ =	sdelay $0x1  }
0x69: {  	[tilespmem:s29+$0xFFFFFFD0] =	vst v0  }
0x6a: {  	v0 =	vld [tilespmem:s31+$0xFFFFFFE0];
	_ =	sdelay $0x4  }
0x6b: {  	v0 =	vmul.f32 $1.131370830e+01, v0;
	_ =	sdelay $0x1  }
0x6c: {  	[tilespmem:s29+$0xFFFFFFE0] =	vst v0  }
0x6d: {  	v0 =	vld [tilespmem:s31+$0xFFFFFFF0];
	_ =	sdelay $0x4  }
0x6e: {  	v0 =	vmul.f32 $1.131370830e+01, v0;
	_ =	sdelay $0x1  }
0x6f: {  	[tilespmem:s29+$0xFFFFFFF0] =	vst v0  }
0x70: {  	v0 =	vld [tilespmem:s31+$0x0];
	_ =	sdelay $0x4  }
0x71: {  	v0 =	vmul.f32 $1.131370830e+01, v0;
	_ =	sdelay $0x1  }
0x72: {  	[tilespmem:s29+$0x0] =	vst v0  }
0x73: {  	v0 =	vld [tilespmem:s31+$0x10];
	_ =	sdelay $0x4  }
0x74: {  	v0 =	vmul.f32 $1.131370830e+01, v0;
	_ =	sdelay $0x1  }
0x75: {  	[tilespmem:s29+$0x10] =	vst v0  }
0x76: {  	v0 =	vld [tilespmem:s31+$0x20];
	_ =	sdelay $0x4  }
0x77: {  	v0 =	vmul.f32 $1.131370830e+01, v0;
	_ =	sdelay $0x1  }
0x78: {  	[tilespmem:s29+$0x20] =	vst v0  }
0x79: {  	v0 =	vld [tilespmem:s31+$0x30];
	_ =	sdelay $0x4  }
0x7a: {  	v0 =	vmul.f32 $1.131370830e+01, v0;
	_ =	sdelay $0x1  }
0x7b: {  	[tilespmem:s29+$0x30] =	vst v0  }
0x7c: {  	v0 =	vld [tilespmem:s31+$0x40];
	_ =	sdelay $0x4  }
0x7d: {  	v0 =	vmul.f32 $1.131370830e+01, v0;
	_ =	sdelay $0x1  }
0x7e: {  	[tilespmem:s29+$0x40] =	vst v0  }
0x7f: {  	v0 =	vld [tilespmem:s31+$0x50];
	_ =	sdelay $0x4  }
0x80: {  	v0 =	vmul.f32 $1.131370830e+01, v0;
	_ =	sdelay $0x1  }
0x81: {  	[tilespmem:s29+$0x50] =	vst v0  }
0x82: {  	v0 =	vld [tilespmem:s31+$0x60];
	_ =	sdelay $0x4  }
0x83: {  	v0 =	vmul.f32 $1.131370830e+01, v0;
	_ =	sdelay $0x1  }
0x84: {  	[tilespmem:s29+$0x60] =	vst v0  }
0x85: {  	v0 =	vld [tilespmem:s31+$0x70];
	_ =	sdelay $0x2  }
.Ltmp2:
0x86: {  	(pc) =	sbr.rel @p2 .LBB2_6-.Ltmp2, $3  }
0x87: {  	_ = 	snop  }
0x88: {  	v0 =	vmul.f32 $1.131370830e+01, v0;
	_ =	sdelay $0x1  }
0x89: {  	s31 =	sadd.s32 $0x100, s31;
	[tilespmem:s29+$0x70] =	vst v0  }
0x8a: {  	s29 =	sadd.s32 s5, s28  }
0x8b: {  	s29 =	sshll.u32 s29, $0x4  }
0x8c: {  	s29 =	sadd.s32 s3, s29  }
0x8d: {  	[hbm4b:s29+s4] =	stream.linear.scatter [tilespmem:s20], [sflag:$0x5], $0x6400, $0x38;
	[tilespmem:$0x19200] =	vst v63  }
0x8e: {  	s29 =	simm.s32 @p0 $0x4  }
0x8f: {  	_ =	swait.ge @p0 [sflag:s29], $0x6400  }
0x90: {  	[sflag:s29] =	ssyncset.done @p0 $0x0  }
0x91: {  	[sflag:s29] =	ssyncadd.s32 @p0 $0xFFFF9C00;
	s29 =	simm.s32 @!p0 $0x1  }
0x92: {  	_ =	swait.ge @!p0 [sflag:s29], $0xC8  }
0x93: {  	s30 =	simm.s32 @!p0 $0x0;
	[sflag:s29] =	ssyncset.done @!p0 $0x0  }
0x94: {  	s31 =	simm.s32 @!p0 $0x200;
	[sflag:s29] =	ssyncadd.s32 @!p0 $0xFFFFFF38;
	s29 =	simm.s32 @!p0 $0xC8  }
0x95: {  	[tilespmem:s31], [sflag:$0x3] =	stream.indirect.gather @!p0 [hbm4b:s2+s29], $0x80, s30, s29, $0xb8;
	[tilespmem:$0x19200] =	vst v63  }
0x96: {  	s29 =	simm.s32 @!p0 $0x4  }
0x97: {  	s28 =	sadd.s32 @!p0 s28, s11;
	_ =	swait.ge @!p0 [sflag:s29], $0x6400  }
0x98: {  	s28 =	sshrl.u32 @!p0 s28, $0x3;
	[sflag:s29] =	ssyncset.done @!p0 $0x0  }
0x99: {  	s28 =	sadd.s32 @!p0 s6, s28;
	[sflag:s29] =	ssyncadd.s32 @!p0 $0xFFFF9C00;
	s29 =	simm.s32 @!p0 $0x100  }
0x9a: {  	[tilespmem:s29], [sflag:$0x2] =	stream.linear.gather @!p0 [hbm4b:s28+s30], $0xC8, $0x38;
	[tilespmem:$0x19200] =	vst v63  }
0x9b: {  	s28 =	simm.s32 @!p1 $0x6  }
0x9c: {  	_ =	swait.ge @!p1 [sflag:s28], $0x6400  }
0x9d: {  	[sflag:s28] =	ssyncset.done @!p1 $0x0  }
0x9e: {  	s29 =	simm.s32 $0x6680;
	[sflag:s28] =	ssyncadd.s32 @!p1 $0xFFFF9C00  }
0x9f: {  	v0 =	vld [tilespmem:s29+$0xFFFFFF80];
	_ =	sdelay $0x4  }
0xa0: {  	v0 =	vmul.f32 $1.131370830e+01, v0  }
0xa1: {  	s28 =	simm.s32 $0x12E80  }
0xa2: {  	[tilespmem:s28+$0xFFFFFF80] =	vst v0  }
0xa3: {  	v0 =	vld [tilespmem:s29+$0xFFFFFF90];
	_ =	sdelay $0x4  }
0xa4: {  	v0 =	vmul.f32 $1.131370830e+01, v0;
	_ =	sdelay $0x1  }
0xa5: {  	[tilespmem:s28+$0xFFFFFF90] =	vst v0  }
0xa6: {  	v0 =	vld [tilespmem:s29+$0xFFFFFFA0];
	_ =	sdelay $0x4  }
0xa7: {  	v0 =	vmul.f32 $1.131370830e+01, v0;
	_ =	sdelay $0x1  }
0xa8: {  	[tilespmem:s28+$0xFFFFFFA0] =	vst v0  }
0xa9: {  	v0 =	vld [tilespmem:s29+$0xFFFFFFB0];
	_ =	sdelay $0x4  }
0xaa: {  	v0 =	vmul.f32 $1.131370830e+01, v0;
	_ =	sdelay $0x1  }
0xab: {  	[tilespmem:s28+$0xFFFFFFB0] =	vst v0  }
0xac: {  	v0 =	vld [tilespmem:s29+$0xFFFFFFC0];
	_ =	sdelay $0x4  }
0xad: {  	v0 =	vmul.f32 $1.131370830e+01, v0;
	_ =	sdelay $0x1  }
0xae: {  	[tilespmem:s28+$0xFFFFFFC0] =	vst v0  }
0xaf: {  	v0 =	vld [tilespmem:s29+$0xFFFFFFD0];
	_ =	sdelay $0x4  }
0xb0: {  	v0 =	vmul.f32 $1.131370830e+01, v0;
	_ =	sdelay $0x1  }
0xb1: {  	[tilespmem:s28+$0xFFFFFFD0] =	vst v0  }
0xb2: {  	v0 =	vld [tilespmem:s29+$0xFFFFFFE0];
	_ =	sdelay $0x4  }
0xb3: {  	v0 =	vmul.f32 $1.131370830e+01, v0;
	_ =	sdelay $0x1  }
0xb4: {  	[tilespmem:s28+$0xFFFFFFE0] =	vst v0  }
0xb5: {  	v0 =	vld [tilespmem:s29+$0xFFFFFFF0];
	_ =	sdelay $0x4  }
0xb6: {  	v0 =	vmul.f32 $1.131370830e+01, v0;
	_ =	sdelay $0x1  }
0xb7: {  	[tilespmem:s28+$0xFFFFFFF0] =	vst v0  }
0xb8: {  	v0 =	vld [tilespmem:s29+$0x0];
	_ =	sdelay $0x4  }
0xb9: {  	v0 =	vmul.f32 $1.131370830e+01, v0;
	_ =	sdelay $0x1  }
0xba: {  	[tilespmem:s28+$0x0] =	vst v0  }
0xbb: {  	v0 =	vld [tilespmem:s29+$0x10];
	_ =	sdelay $0x4  }
0xbc: {  	v0 =	vmul.f32 $1.131370830e+01, v0;
	_ =	sdelay $0x1  }
0xbd: {  	[tilespmem:s28+$0x10] =	vst v0  }
0xbe: {  	v0 =	vld [tilespmem:s29+$0x20];
	_ =	sdelay $0x4  }
0xbf: {  	v0 =	vmul.f32 $1.131370830e+01, v0;
	_ =	sdelay $0x1  }
0xc0: {  	[tilespmem:s28+$0x20] =	vst v0  }
0xc1: {  	v0 =	vld [tilespmem:s29+$0x30];
	_ =	sdelay $0x4  }
0xc2: {  	v0 =	vmul.f32 $1.131370830e+01, v0;
	_ =	sdelay $0x1  }
0xc3: {  	[tilespmem:s28+$0x30] =	vst v0  }
0xc4: {  	v0 =	vld [tilespmem:s29+$0x40];
	_ =	sdelay $0x4  }
0xc5: {  	v0 =	vmul.f32 $1.131370830e+01, v0;
	_ =	sdelay $0x1  }
0xc6: {  	[tilespmem:s28+$0x40] =	vst v0  }
0xc7: {  	v0 =	vld [tilespmem:s29+$0x50];
	_ =	sdelay $0x4  }
0xc8: {  	v0 =	vmul.f32 $1.131370830e+01, v0;
	_ =	sdelay $0x1  }
0xc9: {  	[tilespmem:s28+$0x50] =	vst v0  }
0xca: {  	v0 =	vld [tilespmem:s29+$0x60];
	_ =	sdelay $0x4  }
0xcb: {  	v0 =	vmul.f32 $1.131370830e+01, v0;
	_ =	sdelay $0x1  }
0xcc: {  	[tilespmem:s28+$0x60] =	vst v0  }
0xcd: {  	v0 =	vld [tilespmem:s29+$0x70];
	_ =	sdelay $0x4  }
0xce: {  	v0 =	vmul.f32 $1.131370830e+01, v0;
	_ =	sdelay $0x1  }
0xcf: {  	s30 =	simm.s32 $0x6780;
	s29 =	simm.s32 $0x0;
	[tilespmem:s28+$0x70] =	vst v0  }
.LBB2_8:
0xd0: {  	v0 =	vld [tilespmem:s30+$0xFFFFFF80];
	s29 =	sadd.s32 $0x2, s29  }
0xd1: {  	p0 =	slt.u32 s29, $0xC6;
	_ =	sdelay $0x3  }
0xd2: {  	v0 =	vmul.f32 $1.131370830e+01, v0  }
0xd3: {  	s28 =	sadd.s32 $0x100, s28  }
0xd4: {  	[tilespmem:s28+$0xFFFFFF80] =	vst v0  }
0xd5: {  	v0 =	vld [tilespmem:s30+$0xFFFFFF90];
	_ =	sdelay $0x4  }
0xd6: {  	v0 =	vmul.f32 $1.131370830e+01, v0;
	_ =	sdelay $0x1  }
0xd7: {  	[tilespmem:s28+$0xFFFFFF90] =	vst v0  }
0xd8: {  	v0 =	vld [tilespmem:s30+$0xFFFFFFA0];
	_ =	sdelay $0x4  }
0xd9: {  	v0 =	vmul.f32 $1.131370830e+01, v0;
	_ =	sdelay $0x1  }
0xda: {  	[tilespmem:s28+$0xFFFFFFA0] =	vst v0  }
0xdb: {  	v0 =	vld [tilespmem:s30+$0xFFFFFFB0];
	_ =	sdelay $0x4  }
0xdc: {  	v0 =	vmul.f32 $1.131370830e+01, v0;
	_ =	sdelay $0x1  }
0xdd: {  	[tilespmem:s28+$0xFFFFFFB0] =	vst v0  }
0xde: {  	v0 =	vld [tilespmem:s30+$0xFFFFFFC0];
	_ =	sdelay $0x4  }
0xdf: {  	v0 =	vmul.f32 $1.131370830e+01, v0;
	_ =	sdelay $0x1  }
0xe0: {  	[tilespmem:s28+$0xFFFFFFC0] =	vst v0  }
0xe1: {  	v0 =	vld [tilespmem:s30+$0xFFFFFFD0];
	_ =	sdelay $0x4  }
0xe2: {  	v0 =	vmul.f32 $1.131370830e+01, v0;
	_ =	sdelay $0x1  }
0xe3: {  	[tilespmem:s28+$0xFFFFFFD0] =	vst v0  }
0xe4: {  	v0 =	vld [tilespmem:s30+$0xFFFFFFE0];
	_ =	sdelay $0x4  }
0xe5: {  	v0 =	vmul.f32 $1.131370830e+01, v0;
	_ =	sdelay $0x1  }
0xe6: {  	[tilespmem:s28+$0xFFFFFFE0] =	vst v0  }
0xe7: {  	v0 =	vld [tilespmem:s30+$0xFFFFFFF0];
	_ =	sdelay $0x4  }
0xe8: {  	v0 =	vmul.f32 $1.131370830e+01, v0;
	_ =	sdelay $0x1  }
0xe9: {  	[tilespmem:s28+$0xFFFFFFF0] =	vst v0  }
0xea: {  	v0 =	vld [tilespmem:s30+$0x0];
	_ =	sdelay $0x4  }
0xeb: {  	v0 =	vmul.f32 $1.131370830e+01, v0;
	_ =	sdelay $0x1  }
0xec: {  	[tilespmem:s28+$0x0] =	vst v0  }
0xed: {  	v0 =	vld [tilespmem:s30+$0x10];
	_ =	sdelay $0x4  }
0xee: {  	v0 =	vmul.f32 $1.131370830e+01, v0;
	_ =	sdelay $0x1  }
0xef: {  	[tilespmem:s28+$0x10] =	vst v0  }
0xf0: {  	v0 =	vld [tilespmem:s30+$0x20];
	_ =	sdelay $0x4  }
0xf1: {  	v0 =	vmul.f32 $1.131370830e+01, v0;
	_ =	sdelay $0x1  }
0xf2: {  	[tilespmem:s28+$0x20] =	vst v0  }
0xf3: {  	v0 =	vld [tilespmem:s30+$0x30];
	_ =	sdelay $0x4  }
0xf4: {  	v0 =	vmul.f32 $1.131370830e+01, v0;
	_ =	sdelay $0x1  }
0xf5: {  	[tilespmem:s28+$0x30] =	vst v0  }
0xf6: {  	v0 =	vld [tilespmem:s30+$0x40];
	_ =	sdelay $0x4  }
0xf7: {  	v0 =	vmul.f32 $1.131370830e+01, v0;
	_ =	sdelay $0x1  }
0xf8: {  	[tilespmem:s28+$0x40] =	vst v0  }
0xf9: {  	v0 =	vld [tilespmem:s30+$0x50];
	_ =	sdelay $0x4  }
0xfa: {  	v0 =	vmul.f32 $1.131370830e+01, v0;
	_ =	sdelay $0x1  }
0xfb: {  	[tilespmem:s28+$0x50] =	vst v0  }
0xfc: {  	v0 =	vld [tilespmem:s30+$0x60];
	_ =	sdelay $0x4  }
0xfd: {  	v0 =	vmul.f32 $1.131370830e+01, v0;
	_ =	sdelay $0x1  }
0xfe: {  	[tilespmem:s28+$0x60] =	vst v0  }
0xff: {  	v0 =	vld [tilespmem:s30+$0x70];
	_ =	sdelay $0x2  }
.Ltmp3:
0x100: {  	(pc) =	sbr.rel @p0 .LBB2_8-.Ltmp3, $3  }
0x101: {  	_ = 	snop  }
0x102: {  	v0 =	vmul.f32 $1.131370830e+01, v0;
	_ =	sdelay $0x1  }
0x103: {  	s30 =	sadd.s32 $0x100, s30;
	[tilespmem:s28+$0x70] =	vst v0  }
0x104: {  	s25 =	sadd.s32 $0x1, s25  }
0x105: {  	p0 =	sne.s32 s25, $0x40  }
.Ltmp4:
0x106: {  	_ = 	snop;
	(pc) =	sbr.rel @p0 .LBB2_2-.Ltmp4, $4  }
0x107: {  	_ = 	snop  }
0x108: {  	s26 =	sshll.u32 s26, $0x4  }
0x109: {  	s26 =	sadd.s32 s3, s26  }
0x10a: {  	[hbm4b:s26+s4] =	stream.linear.scatter [tilespmem:s21], [sflag:$0x6], $0x6400, $0x38;
	[tilespmem:$0x19200] =	vst v63  }
0x10b: {  	s24 =	sadd.s32 $0x1, s24  }
0x10c: {  	_ =	swait.ge [sflag:s22], $0x6400;
	p0 =	sne.s32 s24, s12  }
.Ltmp5:
0x10d: {  	[sflag:s22] =	ssyncset.done $0x0;
	(pc) =	sbr.rel @p0 .LBB2_1-.Ltmp5, $4  }
0x10e: {  	[sflag:s22] =	ssyncadd.s32 $0xFFFF9C00  }
0x10f: {  	_ =	swait.ge [sflag:s23], $0x6400  }
0x110: {  	[sflag:s23] =	ssyncset.done $0x0  }
0x111: {  	[sflag:s23] =	ssyncadd.s32 $0xFFFF9C00  }
0x112: {  	_ =	sfence.sel $0x180000  }
0x113: {  	[bflag:$0x0] =	sbarrier.arrive $0xFFFF  }
0x114: {  	p0 =	sne.s32 s0, $0x0;
	_ =	strace $0x90000047  }
0x115: {  	s0 =	sadd.s32 @!p0 $0x100000, s1;
	[bflag:$0x2] =	sbarrier.arrive $0xFFFF  }
0x116: {  	[sflag:s0] =	ssyncadd.tile.s32 @!p0 $0x1;
	_ =	shalt  }
.Lfunc_end2:
_tile_overlayer_lowered:
.L_overlay_start_2:
0x117: {  	(tag) =	ssettag $0x2  }
0x118: {  	s0 =	rddreg [dreg:$0x0];
	s2 =	stileid.u32  }
0x119: {  	s1 =	rddreg [dreg:$0x1];
	p0 =	sne.s32 s2, $0x0  }
0x11a: {  	s3 =	rddreg [dreg:$0x2];
	[bflag:$0x3] =	sbarrier.arrive $0xFFFF;
	s2 =	simm.s32 @!p0 $0x1C07  }
0x11b: {  	[timem:s3], [sflag:s2] =	dma.local @!p0 [hbm:s0], s1  }
0x11c: {  	s0 =	simm.s32 @!p0 $0x7  }
0x11d: {  	_ =	swait.ge @!p0 [sflag:s0], s1  }
0x11e: {  	s1 =	ssub.s32 @!p0 $0x0, s1;
	[sflag:s0] =	ssyncset.done @!p0 $0x0  }
0x11f: {  	[sflag:s0] =	ssyncadd.s32 @!p0 s1  }
0x120: {  	[bflag:$0x3] =	sbarrier.arrive $0xFFFF  }
0x121: {  	_ =	shalt  }

</sc_bundles>
